<compile_context>
chip_gen: v7x
topology: tpu7x:2x2x1
jax: 0.10.2.dev20260603
libtpu: 0.0.44.dev20260713+nightly
codegen_flags: <defaults>
</compile_context>

<pallas_src>
import functools

import jax
import jax.numpy as jnp
from jax import lax
from jax.experimental import pallas as pl
from jax.experimental.pallas import tpu as pltpu
from jax.experimental.pallas import tpu_sc as plsc

N = 10000
NP = 10240
E = 320000
D = 128
C = 16

NC = 2
NS = 16
EW = E // (NC * NS)
EB = 80
NB = EW // EB
SLAB = NP // NS
DEG_EW = E // NS
DEG_NB = DEG_EW // EB

_MESH = plsc.VectorSubcoreMesh(core_axis_name="c", subcore_axis_name="s")


@functools.partial(
    pl.kernel,
    out_type=jax.ShapeDtypeStruct((NC, NP), jnp.float32),
    mesh=_MESH,
    scratch_types=[
        pltpu.VMEM_SHARED((NP,), jnp.float32),
        pltpu.VMEM((SLAB,), jnp.float32),
        pltpu.VMEM((EB,), jnp.int32),
        pltpu.VMEM((EB,), jnp.float32),
    ],
)
def _sc_degrees(idx_hbm, out_hbm, acc_sh, slab_v, idx_v, ones_v):
    c = lax.axis_index("c")
    s = lax.axis_index("s")

    def _fill_slab(i, _):
        slab_v[pl.ds(i * 16, 16)] = jnp.zeros((16,), jnp.float32)
        return 0
    lax.fori_loop(0, SLAB // 16, _fill_slab, 0)

    def _fill_ones(i, _):
        ones_v[pl.ds(i * 16, 16)] = jnp.ones((16,), jnp.float32)
        return 0
    lax.fori_loop(0, EB // 16, _fill_ones, 0)

    base = s * SLAB
    pltpu.sync_copy(slab_v, acc_sh.at[pl.ds(base, SLAB)])
    plsc.subcore_barrier()

    def _batch(i, _):
        off = c * E + s * DEG_EW + i * EB
        pltpu.sync_copy(idx_hbm.at[pl.ds(off, EB)], idx_v)
        pltpu.sync_copy(ones_v, acc_sh.at[idx_v], add=True)
        return 0
    lax.fori_loop(0, DEG_NB, _batch, 0)
    plsc.subcore_barrier()

    pltpu.sync_copy(acc_sh.at[pl.ds(base, SLAB)], slab_v)
    pltpu.sync_copy(slab_v, out_hbm.at[c, pl.ds(base, SLAB)])


@functools.partial(
    pl.kernel,
    out_type=jax.ShapeDtypeStruct((NC, NP, D), jnp.float32),
    mesh=_MESH,
    scratch_types=[
        pltpu.VMEM_SHARED((NP, D), jnp.float32),
        pltpu.VMEM((128, D), jnp.float32),
        pltpu.VMEM((EB,), jnp.int32),
        pltpu.VMEM((EB,), jnp.int32),
        pltpu.VMEM((EB, D), jnp.float32),
        pltpu.SemaphoreType.DMA,
    ],
)
def _sc_aggregate(h_hbm, src_hbm, dst_hbm, out_hbm,
                  acc_sh, stage_v, src_v, dst_v, rows_v, sem):
    c = lax.axis_index("c")
    s = lax.axis_index("s")
    wid = c * NS + s

    def _zrow(i, _):
        def _zlane(j, _):
            stage_v[i, pl.ds(j * 16, 16)] = jnp.zeros((16,), jnp.float32)
            return 0
        lax.fori_loop(0, D // 16, _zlane, 0)
        return 0
    lax.fori_loop(0, 128, _zrow, 0)

    base = s * SLAB
    def _zslab(k, _):
        pltpu.sync_copy(stage_v, acc_sh.at[pl.ds(base + k * 128, 128)])
        return 0
    lax.fori_loop(0, SLAB // 128, _zslab, 0)
    plsc.subcore_barrier()

    ebase = wid * EW
    def _batch(i, _):
        off = ebase + i * EB
        pltpu.sync_copy(src_hbm.at[pl.ds(off, EB)], src_v)
        pltpu.sync_copy(dst_hbm.at[pl.ds(off, EB)], dst_v)
        pltpu.async_copy(h_hbm.at[src_v], rows_v, sem).wait()
        pltpu.sync_copy(rows_v, acc_sh.at[dst_v], add=True)
        return 0
    lax.fori_loop(0, NB, _batch, 0)
    plsc.subcore_barrier()

    def _wb(k, _):
        pltpu.sync_copy(acc_sh.at[pl.ds(base + k * 128, 128)], stage_v)
        pltpu.sync_copy(stage_v, out_hbm.at[c, pl.ds(base + k * 128, 128)])
        return 0
    lax.fori_loop(0, SLAB // 128, _wb, 0)


def _tc_pre_body(x_ref, w_ref, dout_ref, o_ref):
    scale = lax.rsqrt(jnp.maximum(dout_ref[...], 1.0))
    o_ref[...] = jnp.dot(x_ref[...], w_ref[...],
                         preferred_element_type=jnp.float32) * scale


def _tc_mid_body(p_ref, din_ref, b_ref, w_ref, dout_ref, o_ref):
    agg = p_ref[0] + p_ref[1]
    din = lax.rsqrt(jnp.maximum(din_ref[...], 1.0))
    x = jnp.maximum(agg * din + b_ref[...], 0.0)
    dout = lax.rsqrt(jnp.maximum(dout_ref[...], 1.0))
    o_ref[...] = jnp.dot(x, w_ref[...],
                         preferred_element_type=jnp.float32) * dout


def _tc_final_body(p_ref, din_ref, b_ref, wl_ref, bl_ref, o_ref):
    agg = p_ref[0] + p_ref[1]
    din = lax.rsqrt(jnp.maximum(din_ref[...], 1.0))
    x = agg * din + b_ref[...]
    logits = jnp.dot(x, wl_ref[...],
                     preferred_element_type=jnp.float32) + bl_ref[...]
    m = jnp.max(logits, axis=-1, keepdims=True)
    ex = jnp.exp(logits - m)
    o_ref[...] = ex / jnp.sum(ex, axis=-1, keepdims=True)


_tc_pre = pl.pallas_call(
    _tc_pre_body, out_shape=jax.ShapeDtypeStruct((NP, D), jnp.float32))
_tc_mid = pl.pallas_call(
    _tc_mid_body, out_shape=jax.ShapeDtypeStruct((NP, D), jnp.float32))
_tc_final = pl.pallas_call(
    _tc_final_body, out_shape=jax.ShapeDtypeStruct((NP, C), jnp.float32))


def kernel(in_feat, edge_index, W1, b1, W2, b2, W3, b3, Wl, bl):
    src = edge_index[0]
    dst = edge_index[1]
    degs = _sc_degrees(edge_index.reshape(2 * E))
    dout = degs[0].reshape(NP, 1)
    din = degs[1].reshape(NP, 1)
    xp = jnp.pad(in_feat, ((0, NP - N), (0, 0)))
    h = _tc_pre(xp, W1, dout)
    p = _sc_aggregate(h, src, dst)
    h = _tc_mid(p, din, b1, W2, dout)
    p = _sc_aggregate(h, src, dst)
    h = _tc_mid(p, din, b2, W3, dout)
    p = _sc_aggregate(h, src, dst)
    out = _tc_final(p, din, b3, Wl, bl)
    return out[:N]

# --- scband reference (transcript-rebuilt; emitter-appended) ---
"""Pipeline reference for scband-gcn-82360292868212 (READ-ONLY COPY).

The authoritative reference and input builder live on the scoring server;
editing this copy changes nothing except your own understanding.
"""

import jax, jax.numpy as jnp
import numpy as np

N = 10000
E = 320000
D = 128
H = 128
C = 16


def setup_inputs(seed: int = 0) -> dict:
    key = jax.random.key(seed)
    ks = jax.random.split(key, 12)
    in_feat = jax.random.normal(ks[0], (N, D), dtype=jnp.float32)
    edge_index = jax.random.randint(ks[1], (2, E), 0, N, dtype=jnp.int32)
    s = 0.1
    W1 = jax.random.normal(ks[2], (D, H), dtype=jnp.float32) * s
    b1 = jnp.zeros((H,), dtype=jnp.float32)
    W2 = jax.random.normal(ks[3], (H, H), dtype=jnp.float32) * s
    b2 = jnp.zeros((H,), dtype=jnp.float32)
    W3 = jax.random.normal(ks[4], (H, H), dtype=jnp.float32) * s
    b3 = jnp.zeros((H,), dtype=jnp.float32)
    Wl = jax.random.normal(ks[5], (H, C), dtype=jnp.float32) * s
    bl = jnp.zeros((C,), dtype=jnp.float32)
    return {"in_feat": in_feat, "edge_index": edge_index, "W1": W1, "b1": b1,
            "W2": W2, "b2": b2, "W3": W3, "b3": b3, "Wl": Wl, "bl": bl}


def _graph_conv(x, W, b, src, dst, dout_inv_sqrt, din_inv_sqrt):
    # DGL GraphConv, norm='both': h = D_in^{-1/2} A (D_out^{-1/2} X W) + b
    h = x @ W
    h = h * dout_inv_sqrt[:, None]
    agg = jnp.zeros((N, h.shape[1]), dtype=h.dtype).at[dst].add(h[src])
    agg = agg * din_inv_sqrt[:, None]
    return agg + b


def reference(in_feat, edge_index, W1, b1, W2, b2, W3, b3, Wl, bl):
    src = edge_index[0]
    dst = edge_index[1]
    deg_out = jnp.zeros((N,), jnp.float32).at[src].add(1.0)
    deg_in = jnp.zeros((N,), jnp.float32).at[dst].add(1.0)
    dout = 1.0 / jnp.sqrt(jnp.maximum(deg_out, 1.0))
    din = 1.0 / jnp.sqrt(jnp.maximum(deg_in, 1.0))
    x = _graph_conv(in_feat, W1, b1, src, dst, dout, din)
    x = jax.nn.relu(x)
    # F.dropout(p=0.5, training=self.training): identity in eval mode
    x = _graph_conv(x, W2, b2, src, dst, dout, din)
    x = jax.nn.relu(x)
    x = _graph_conv(x, W3, b3, src, dst, dout, din)
    x = x @ Wl + bl
    return jax.nn.softmax(x, axis=1)

if __name__ == "__main__":
    import jax
    _d = setup_inputs()
    print(jax.jit(kernel)(*tuple(_d.values())))

</pallas_src>

<mosaic_0001>
#map = affine_map<(d0, d1) -> (0, 0)>
#map1 = affine_map<(d0, d1) -> (0)>
#map2 = affine_map<(d0, d1) -> (0, 0, 0)>
module attributes {stable_mosaic.version = 14 : i64} {
  func.func @_sc_aggregate(%arg0: i32, %arg1: i32, %arg2: memref<10240x128xf32, #tpu.memory_space<hbm>>, %arg3: memref<320000xi32, #tpu.memory_space<hbm>>, %arg4: memref<320000xi32, #tpu.memory_space<hbm>>, %arg5: memref<2x10240x128xf32, #tpu.memory_space<hbm>>, %arg6: memref<10240x128xf32, #tpu.memory_space<vmem_shared>>, %arg7: memref<128x128xf32, #tpu.memory_space<vmem>>, %arg8: memref<80xi32, #tpu.memory_space<vmem>>, %arg9: memref<80xi32, #tpu.memory_space<vmem>>, %arg10: memref<80x128xf32, #tpu.memory_space<vmem>>, %arg11: memref<!tpu.dma_semaphore, #tpu.memory_space<semaphore_mem>>) attributes {dimension_semantics = [#tpu.dimension_semantics<core_parallel>, #tpu.dimension_semantics<subcore_parallel>], iteration_bounds = array<i64: 2, 16>, scalar_prefetch = 0 : i64, scratch_operands = 6 : i64, tpu.core_type = #tpu.core_type<sc_vector_subcore>, window_params = [{transform_indices = #map}, {transform_indices = #map1}, {transform_indices = #map1}, {transform_indices = #map2}]} {
    %mul3A = arith.constant 16 : i32
    %mul3A_0 = arith.muli %arg0, %mul3A : i32
    %add3A = arith.addi %mul3A_0, %arg1 : i32
    %scan3A = arith.constant 0 : i32
    %scan3A_1 = arith.constant 0 : i32
    %scan3A_2 = arith.constant 128 : i32
    %scan3A_3 = arith.addi %scan3A_1, %scan3A_2 : i32
    %scan3A_4 = arith.constant 1 : i32
    %scan3A_5 = scf.for %scan3A_33 = %scan3A_1 to %scan3A_3 step %scan3A_4 iter_args(%scan3A_34 = %scan3A) -> (i32)  : i32 {
      %scan3A_35 = arith.constant 0 : i32
      %scan3A_36 = arith.constant 0 : i32
      %scan3A_37 = arith.constant 8 : i32
      %scan3A_38 = arith.addi %scan3A_36, %scan3A_37 : i32
      %scan3A_39 = arith.constant 1 : i32
      %scan3A_40 = scf.for %scan3A_43 = %scan3A_36 to %scan3A_38 step %scan3A_39 iter_args(%scan3A_44 = %scan3A_35) -> (i32)  : i32 {
        %broadcast_in_dim3A = arith.constant 0.000000e+00 : f32
        %broadcast_in_dim3A_45 = vector.broadcast %broadcast_in_dim3A : f32 to vector<16xf32>
        %mul3A_46 = arith.constant 16 : i32
        %mul3A_47 = arith.muli %scan3A_43, %mul3A_46 : i32
        %swap3A = arith.index_cast %scan3A_33 : i32 to index
        %swap3A_48 = arith.index_cast %mul3A_47 : i32 to index
        %swap3A_49 = tpu.vector_load %arg7[%swap3A, %swap3A_48] {strides = array<i32>} : memref<128x128xf32, #tpu.memory_space<vmem>>, vector<1x16xf32>,
        %swap3A_50 = vector.shape_cast %swap3A_49 : vector<1x16xf32> to vector<16xf32>
        %swap3A_51 = vector.shape_cast %broadcast_in_dim3A_45 : vector<16xf32> to vector<1x16xf32>
        tpu.vector_store %arg7[%swap3A, %swap3A_48], %swap3A_51 {strides = array<i32>} : memref<128x128xf32, #tpu.memory_space<vmem>>, vector<1x16xf32>,
        %scan3A_52 = arith.constant 0 : i32
        scf.yield %scan3A_52 : i32
      }
      %scan3A_41 = arith.constant 8 : i32
      %scan3A_42 = arith.constant 0 : i32
      scf.yield %scan3A_42 : i32
    }
    %scan3A_6 = arith.constant 128 : i32
    %mul3A_7 = arith.constant 640 : i32
    %mul3A_8 = arith.muli %arg1, %mul3A_7 : i32
    %scan3A_9 = arith.constant 0 : i32
    %scan3A_10 = arith.constant 0 : i32
    %scan3A_11 = arith.constant 5 : i32
    %scan3A_12 = arith.addi %scan3A_10, %scan3A_11 : i32
    %scan3A_13 = arith.constant 1 : i32
    %scan3A_14 = scf.for %scan3A_33 = %scan3A_10 to %scan3A_12 step %scan3A_13 iter_args(%scan3A_34 = %scan3A_9) -> (i32)  : i32 {
      %mul3A_35 = arith.constant 128 : i32
      %mul3A_36 = arith.muli %scan3A_33, %mul3A_35 : i32
      %add3A_37 = arith.addi %mul3A_8, %mul3A_36 : i32
      "tpu.region"() ({
        %run_scoped3A = tpu.sem_alloc : memref<!tpu.dma_semaphore, #tpu.memory_space<semaphore_mem>>
        %dma_start3A = arith.constant 0 : i32
        %dma_start3A_39 = tpu.memref_slice %arg6[%add3A_37, %dma_start3A] : memref<10240x128xf32, #tpu.memory_space<vmem_shared>> -> memref<128x128xf32, #tpu.memory_space<vmem_shared>>
        %dma_start3A_40 = arith.constant 0 : i32
        %dma_start3A_41 = tpu.memref_slice %arg6[%add3A_37, %dma_start3A_40] : memref<10240x128xf32, #tpu.memory_space<vmem_shared>> -> memref<128x128xf32, #tpu.memory_space<vmem_shared>>
        tpu.enqueue_dma source(%arg7 : memref<128x128xf32, #tpu.memory_space<vmem>>) target(%dma_start3A_41 : memref<128x128xf32, #tpu.memory_space<vmem_shared>>) target_semaphore(%run_scoped3A : memref<!tpu.dma_semaphore, #tpu.memory_space<semaphore_mem>>)
        %dma_wait3A = arith.constant 0 : i32
        %dma_wait3A_42 = tpu.memref_slice %arg6[%add3A_37, %dma_wait3A] : memref<10240x128xf32, #tpu.memory_space<vmem_shared>> -> memref<128x128xf32, #tpu.memory_space<vmem_shared>>
        %dma_wait3A_43 = arith.constant 0 : i32
        %dma_wait3A_44 = tpu.memref_slice %arg6[%add3A_37, %dma_wait3A_43] : memref<10240x128xf32, #tpu.memory_space<vmem_shared>> -> memref<128x128xf32, #tpu.memory_space<vmem_shared>>
        tpu.wait_dma2 semaphore(%run_scoped3A : memref<!tpu.dma_semaphore, #tpu.memory_space<semaphore_mem>>) src(%arg7 : memref<128x128xf32, #tpu.memory_space<vmem>>) dst(%dma_wait3A_44 : memref<128x128xf32, #tpu.memory_space<vmem_shared>>)
        tpu.yield
      }) : () -> ()
      %scan3A_38 = arith.constant 0 : i32
      scf.yield %scan3A_38 : i32
    }
    %scan3A_15 = arith.constant 5 : i32
    %barrier3A = arith.constant 0 : index
    tpu.barrier barrier_id(%barrier3A)
    %mul3A_16 = arith.constant 10000 : i32
    %mul3A_17 = arith.muli %add3A, %mul3A_16 : i32
    %scan3A_18 = arith.constant 0 : i32
    %scan3A_19 = arith.constant 0 : i32
    %scan3A_20 = arith.constant 125 : i32
    %scan3A_21 = arith.addi %scan3A_19, %scan3A_20 : i32
    %scan3A_22 = arith.constant 1 : i32
    %scan3A_23 = scf.for %scan3A_33 = %scan3A_19 to %scan3A_21 step %scan3A_22 iter_args(%scan3A_34 = %scan3A_18) -> (i32)  : i32 {
      %mul3A_35 = arith.constant 80 : i32
      %mul3A_36 = arith.muli %scan3A_33, %mul3A_35 : i32
      %add3A_37 = arith.addi %mul3A_17, %mul3A_36 : i32
      "tpu.region"() ({
        %run_scoped3A = tpu.sem_alloc : memref<!tpu.dma_semaphore, #tpu.memory_space<semaphore_mem>>
        %dma_start3A_43 = tpu.memref_slice %arg3[%add3A_37] : memref<320000xi32, #tpu.memory_space<hbm>> -> memref<80xi32, #tpu.memory_space<hbm>>
        %dma_start3A_44 = tpu.memref_slice %arg3[%add3A_37] : memref<320000xi32, #tpu.memory_space<hbm>> -> memref<80xi32, #tpu.memory_space<hbm>>
        tpu.enqueue_dma source(%dma_start3A_44 : memref<80xi32, #tpu.memory_space<hbm>>) target(%arg8 : memref<80xi32, #tpu.memory_space<vmem>>) target_semaphore(%run_scoped3A : memref<!tpu.dma_semaphore, #tpu.memory_space<semaphore_mem>>)
        %dma_wait3A_45 = tpu.memref_slice %arg3[%add3A_37] : memref<320000xi32, #tpu.memory_space<hbm>> -> memref<80xi32, #tpu.memory_space<hbm>>
        %dma_wait3A_46 = tpu.memref_slice %arg3[%add3A_37] : memref<320000xi32, #tpu.memory_space<hbm>> -> memref<80xi32, #tpu.memory_space<hbm>>
        tpu.wait_dma2 semaphore(%run_scoped3A : memref<!tpu.dma_semaphore, #tpu.memory_space<semaphore_mem>>) src(%dma_wait3A_46 : memref<80xi32, #tpu.memory_space<hbm>>) dst(%arg8 : memref<80xi32, #tpu.memory_space<vmem>>)
        tpu.yield
      }) : () -> ()
      "tpu.region"() ({
        %run_scoped3A = tpu.sem_alloc : memref<!tpu.dma_semaphore, #tpu.memory_space<semaphore_mem>>
        %dma_start3A_43 = tpu.memref_slice %arg4[%add3A_37] : memref<320000xi32, #tpu.memory_space<hbm>> -> memref<80xi32, #tpu.memory_space<hbm>>
        %dma_start3A_44 = tpu.memref_slice %arg4[%add3A_37] : memref<320000xi32, #tpu.memory_space<hbm>> -> memref<80xi32, #tpu.memory_space<hbm>>
        tpu.enqueue_dma source(%dma_start3A_44 : memref<80xi32, #tpu.memory_space<hbm>>) target(%arg9 : memref<80xi32, #tpu.memory_space<vmem>>) target_semaphore(%run_scoped3A : memref<!tpu.dma_semaphore, #tpu.memory_space<semaphore_mem>>)
        %dma_wait3A_45 = tpu.memref_slice %arg4[%add3A_37] : memref<320000xi32, #tpu.memory_space<hbm>> -> memref<80xi32, #tpu.memory_space<hbm>>
        %dma_wait3A_46 = tpu.memref_slice %arg4[%add3A_37] : memref<320000xi32, #tpu.memory_space<hbm>> -> memref<80xi32, #tpu.memory_space<hbm>>
        tpu.wait_dma2 semaphore(%run_scoped3A : memref<!tpu.dma_semaphore, #tpu.memory_space<semaphore_mem>>) src(%dma_wait3A_46 : memref<80xi32, #tpu.memory_space<hbm>>) dst(%arg9 : memref<80xi32, #tpu.memory_space<vmem>>)
        tpu.yield
      }) : () -> ()
      %dma_start3A = arith.constant 0 : i32
      %dma_start3A_38 = arith.constant 0 : i32
      %dma_start3A_39 = tpu.memref_slice %arg2[%dma_start3A, %dma_start3A_38] : memref<10240x128xf32, #tpu.memory_space<hbm>> -> memref<10240x128xf32, #tpu.memory_space<hbm>>
      tpu.enqueue_indirect_dma source(%dma_start3A_39 : memref<10240x128xf32, #tpu.memory_space<hbm>>) target(%arg10 : memref<80x128xf32, #tpu.memory_space<vmem>>) offsets(%arg8 : memref<80xi32, #tpu.memory_space<vmem>>) semaphore(%arg11 : memref<!tpu.dma_semaphore, #tpu.memory_space<semaphore_mem>>)
      %dma_wait3A = arith.constant 0 : i32
      %dma_wait3A_40 = arith.constant 0 : i32
      %dma_wait3A_41 = tpu.memref_slice %arg2[%dma_wait3A, %dma_wait3A_40] : memref<10240x128xf32, #tpu.memory_space<hbm>> -> memref<10240x128xf32, #tpu.memory_space<hbm>>
      tpu.wait_indirect_dma semaphore(%arg11 : memref<!tpu.dma_semaphore, #tpu.memory_space<semaphore_mem>>) src(%dma_wait3A_41 : memref<10240x128xf32, #tpu.memory_space<hbm>>) dst(%arg10 : memref<80x128xf32, #tpu.memory_space<vmem>>)
      "tpu.region"() ({
        %run_scoped3A = tpu.sem_alloc : memref<!tpu.dma_semaphore, #tpu.memory_space<semaphore_mem>>
        %dma_start3A_43 = arith.constant 0 : i32
        %dma_start3A_44 = arith.constant 0 : i32
        %dma_start3A_45 = tpu.memref_slice %arg6[%dma_start3A_43, %dma_start3A_44] : memref<10240x128xf32, #tpu.memory_space<vmem_shared>> -> memref<10240x128xf32, #tpu.memory_space<vmem_shared>>
        tpu.enqueue_indirect_dma source(%arg10 : memref<80x128xf32, #tpu.memory_space<vmem>>) target(%dma_start3A_45 : memref<10240x128xf32, #tpu.memory_space<vmem_shared>>) offsets(%arg9 : memref<80xi32, #tpu.memory_space<vmem>>) semaphore(%run_scoped3A : memref<!tpu.dma_semaphore, #tpu.memory_space<semaphore_mem>>) {add = true}
        %dma_wait3A_46 = arith.constant 0 : i32
        %dma_wait3A_47 = arith.constant 0 : i32
        %dma_wait3A_48 = tpu.memref_slice %arg6[%dma_wait3A_46, %dma_wait3A_47] : memref<10240x128xf32, #tpu.memory_space<vmem_shared>> -> memref<10240x128xf32, #tpu.memory_space<vmem_shared>>
        tpu.wait_indirect_dma semaphore(%run_scoped3A : memref<!tpu.dma_semaphore, #tpu.memory_space<semaphore_mem>>) src(%arg10 : memref<80x128xf32, #tpu.memory_space<vmem>>) dst(%dma_wait3A_48 : memref<10240x128xf32, #tpu.memory_space<vmem_shared>>)
        tpu.yield
      }) : () -> ()
      %scan3A_42 = arith.constant 0 : i32
      scf.yield %scan3A_42 : i32
    }
    %scan3A_24 = arith.constant 125 : i32
    %barrier3A_25 = arith.constant 0 : index
    tpu.barrier barrier_id(%barrier3A_25)
    %scan3A_26 = arith.constant 0 : i32
    %scan3A_27 = arith.constant 0 : i32
    %scan3A_28 = arith.constant 5 : i32
    %scan3A_29 = arith.addi %scan3A_27, %scan3A_28 : i32
    %scan3A_30 = arith.constant 1 : i32
    %scan3A_31 = scf.for %scan3A_33 = %scan3A_27 to %scan3A_29 step %scan3A_30 iter_args(%scan3A_34 = %scan3A_26) -> (i32)  : i32 {
      %mul3A_35 = arith.constant 128 : i32
      %mul3A_36 = arith.muli %scan3A_33, %mul3A_35 : i32
      %add3A_37 = arith.addi %mul3A_8, %mul3A_36 : i32
      "tpu.region"() ({
        %run_scoped3A = tpu.sem_alloc : memref<!tpu.dma_semaphore, #tpu.memory_space<semaphore_mem>>
        %dma_start3A = arith.constant 0 : i32
        %dma_start3A_42 = tpu.memref_slice %arg6[%add3A_37, %dma_start3A] : memref<10240x128xf32, #tpu.memory_space<vmem_shared>> -> memref<128x128xf32, #tpu.memory_space<vmem_shared>>
        %dma_start3A_43 = arith.constant 0 : i32
        %dma_start3A_44 = tpu.memref_slice %arg6[%add3A_37, %dma_start3A_43] : memref<10240x128xf32, #tpu.memory_space<vmem_shared>> -> memref<128x128xf32, #tpu.memory_space<vmem_shared>>
        tpu.enqueue_dma source(%dma_start3A_44 : memref<128x128xf32, #tpu.memory_space<vmem_shared>>) target(%arg7 : memref<128x128xf32, #tpu.memory_space<vmem>>) target_semaphore(%run_scoped3A : memref<!tpu.dma_semaphore, #tpu.memory_space<semaphore_mem>>)
        %dma_wait3A = arith.constant 0 : i32
        %dma_wait3A_45 = tpu.memref_slice %arg6[%add3A_37, %dma_wait3A] : memref<10240x128xf32, #tpu.memory_space<vmem_shared>> -> memref<128x128xf32, #tpu.memory_space<vmem_shared>>
        %dma_wait3A_46 = arith.constant 0 : i32
        %dma_wait3A_47 = tpu.memref_slice %arg6[%add3A_37, %dma_wait3A_46] : memref<10240x128xf32, #tpu.memory_space<vmem_shared>> -> memref<128x128xf32, #tpu.memory_space<vmem_shared>>
        tpu.wait_dma2 semaphore(%run_scoped3A : memref<!tpu.dma_semaphore, #tpu.memory_space<semaphore_mem>>) src(%dma_wait3A_47 : memref<128x128xf32, #tpu.memory_space<vmem_shared>>) dst(%arg7 : memref<128x128xf32, #tpu.memory_space<vmem>>)
        tpu.yield
      }) : () -> ()
      %mul3A_38 = arith.constant 128 : i32
      %mul3A_39 = arith.muli %scan3A_33, %mul3A_38 : i32
      %add3A_40 = arith.addi %mul3A_8, %mul3A_39 : i32
      "tpu.region"() ({
        %run_scoped3A = tpu.sem_alloc : memref<!tpu.dma_semaphore, #tpu.memory_space<semaphore_mem>>
        %dma_start3A = arith.constant 0 : i32
        %dma_start3A_42 = tpu.memref_slice %arg5[%arg0, %add3A_40, %dma_start3A] : memref<2x10240x128xf32, #tpu.memory_space<hbm>> -> memref<1x128x128xf32, #tpu.memory_space<hbm>>
        %dma_start3A_43 = tpu.memref_squeeze %dma_start3A_42 : memref<1x128x128xf32, #tpu.memory_space<hbm>> -> memref<128x128xf32, #tpu.memory_space<hbm>>
        %dma_start3A_44 = arith.constant 0 : i32
        %dma_start3A_45 = tpu.memref_slice %arg5[%arg0, %add3A_40, %dma_start3A_44] : memref<2x10240x128xf32, #tpu.memory_space<hbm>> -> memref<1x128x128xf32, #tpu.memory_space<hbm>>
        %dma_start3A_46 = tpu.memref_squeeze %dma_start3A_45 : memref<1x128x128xf32, #tpu.memory_space<hbm>> -> memref<128x128xf32, #tpu.memory_space<hbm>>
        tpu.enqueue_dma source(%arg7 : memref<128x128xf32, #tpu.memory_space<vmem>>) target(%dma_start3A_46 : memref<128x128xf32, #tpu.memory_space<hbm>>) target_semaphore(%run_scoped3A : memref<!tpu.dma_semaphore, #tpu.memory_space<semaphore_mem>>)
        %dma_wait3A = arith.constant 0 : i32
        %dma_wait3A_47 = tpu.memref_slice %arg5[%arg0, %add3A_40, %dma_wait3A] : memref<2x10240x128xf32, #tpu.memory_space<hbm>> -> memref<1x128x128xf32, #tpu.memory_space<hbm>>
        %dma_wait3A_48 = tpu.memref_squeeze %dma_wait3A_47 : memref<1x128x128xf32, #tpu.memory_space<hbm>> -> memref<128x128xf32, #tpu.memory_space<hbm>>
        %dma_wait3A_49 = arith.constant 0 : i32
        %dma_wait3A_50 = tpu.memref_slice %arg5[%arg0, %add3A_40, %dma_wait3A_49] : memref<2x10240x128xf32, #tpu.memory_space<hbm>> -> memref<1x128x128xf32, #tpu.memory_space<hbm>>
        %dma_wait3A_51 = tpu.memref_squeeze %dma_wait3A_50 : memref<1x128x128xf32, #tpu.memory_space<hbm>> -> memref<128x128xf32, #tpu.memory_space<hbm>>
        tpu.wait_dma2 semaphore(%run_scoped3A : memref<!tpu.dma_semaphore, #tpu.memory_space<semaphore_mem>>) src(%arg7 : memref<128x128xf32, #tpu.memory_space<vmem>>) dst(%dma_wait3A_51 : memref<128x128xf32, #tpu.memory_space<hbm>>)
        tpu.yield
      }) : () -> ()
      %scan3A_41 = arith.constant 0 : i32
      scf.yield %scan3A_41 : i32
    }
    %scan3A_32 = arith.constant 5 : i32
    return
  }
}

#map = affine_map<(d0, d1) -> (0, 0)>
#map1 = affine_map<(d0, d1) -> (0)>
#map2 = affine_map<(d0, d1) -> (0, 0, 0)>
module attributes {stable_mosaic.version = 14 : i64} {
  func.func @_sc_aggregate(%arg0: i32, %arg1: i32, %arg2: memref<10240x128xf32, #tpu.memory_space<hbm>>, %arg3: memref<320000xi32, #tpu.memory_space<hbm>>, %arg4: memref<320000xi32, #tpu.memory_space<hbm>>, %arg5: memref<2x10240x128xf32, #tpu.memory_space<hbm>>, %arg6: memref<10240x128xf32, #tpu.memory_space<vmem_shared>>, %arg7: memref<128x128xf32, #tpu.memory_space<vmem>>, %arg8: memref<80xi32, #tpu.memory_space<vmem>>, %arg9: memref<80xi32, #tpu.memory_space<vmem>>, %arg10: memref<80x128xf32, #tpu.memory_space<vmem>>, %arg11: memref<!tpu.dma_semaphore, #tpu.memory_space<semaphore_mem>>) attributes {dimension_semantics = [#tpu.dimension_semantics<core_parallel>, #tpu.dimension_semantics<subcore_parallel>], iteration_bounds = array<i64: 2, 16>, scalar_prefetch = 0 : i64, scratch_operands = 6 : i64, tpu.core_type = #tpu.core_type<sc_vector_subcore>, window_params = [{transform_indices = #map}, {transform_indices = #map1}, {transform_indices = #map1}, {transform_indices = #map2}]} {
    %mul3A = arith.constant 16 : i32
    %mul3A_0 = arith.muli %arg0, %mul3A : i32
    %add3A = arith.addi %mul3A_0, %arg1 : i32
    %scan3A = arith.constant 0 : i32
    %scan3A_1 = arith.constant 0 : i32
    %scan3A_2 = arith.constant 128 : i32
    %scan3A_3 = arith.addi %scan3A_1, %scan3A_2 : i32
    %scan3A_4 = arith.constant 1 : i32
    %scan3A_5 = scf.for %scan3A_33 = %scan3A_1 to %scan3A_3 step %scan3A_4 iter_args(%scan3A_34 = %scan3A) -> (i32)  : i32 {
      %scan3A_35 = arith.constant 0 : i32
      %scan3A_36 = arith.constant 0 : i32
      %scan3A_37 = arith.constant 8 : i32
      %scan3A_38 = arith.addi %scan3A_36, %scan3A_37 : i32
      %scan3A_39 = arith.constant 1 : i32
      %scan3A_40 = scf.for %scan3A_43 = %scan3A_36 to %scan3A_38 step %scan3A_39 iter_args(%scan3A_44 = %scan3A_35) -> (i32)  : i32 {
        %broadcast_in_dim3A = arith.constant 0.000000e+00 : f32
        %broadcast_in_dim3A_45 = vector.broadcast %broadcast_in_dim3A : f32 to vector<16xf32>
        %mul3A_46 = arith.constant 16 : i32
        %mul3A_47 = arith.muli %scan3A_43, %mul3A_46 : i32
        %swap3A = arith.index_cast %scan3A_33 : i32 to index
        %swap3A_48 = arith.index_cast %mul3A_47 : i32 to index
        %swap3A_49 = tpu.vector_load %arg7[%swap3A, %swap3A_48] {strides = array<i32>} : memref<128x128xf32, #tpu.memory_space<vmem>>, vector<1x16xf32>,
        %swap3A_50 = vector.shape_cast %swap3A_49 : vector<1x16xf32> to vector<16xf32>
        %swap3A_51 = vector.shape_cast %broadcast_in_dim3A_45 : vector<16xf32> to vector<1x16xf32>
        tpu.vector_store %arg7[%swap3A, %swap3A_48], %swap3A_51 {strides = array<i32>} : memref<128x128xf32, #tpu.memory_space<vmem>>, vector<1x16xf32>,
        %scan3A_52 = arith.constant 0 : i32
        scf.yield %scan3A_52 : i32
      }
      %scan3A_41 = arith.constant 8 : i32
      %scan3A_42 = arith.constant 0 : i32
      scf.yield %scan3A_42 : i32
    }
    %scan3A_6 = arith.constant 128 : i32
    %mul3A_7 = arith.constant 640 : i32
    %mul3A_8 = arith.muli %arg1, %mul3A_7 : i32
    %scan3A_9 = arith.constant 0 : i32
    %scan3A_10 = arith.constant 0 : i32
    %scan3A_11 = arith.constant 5 : i32
    %scan3A_12 = arith.addi %scan3A_10, %scan3A_11 : i32
    %scan3A_13 = arith.constant 1 : i32
    %scan3A_14 = scf.for %scan3A_33 = %scan3A_10 to %scan3A_12 step %scan3A_13 iter_args(%scan3A_34 = %scan3A_9) -> (i32)  : i32 {
      %mul3A_35 = arith.constant 128 : i32
      %mul3A_36 = arith.muli %scan3A_33, %mul3A_35 : i32
      %add3A_37 = arith.addi %mul3A_8, %mul3A_36 : i32
      "tpu.region"() ({
        %run_scoped3A = tpu.sem_alloc : memref<!tpu.dma_semaphore, #tpu.memory_space<semaphore_mem>>
        %dma_start3A = arith.constant 0 : i32
        %dma_start3A_39 = tpu.memref_slice %arg6[%add3A_37, %dma_start3A] : memref<10240x128xf32, #tpu.memory_space<vmem_shared>> -> memref<128x128xf32, #tpu.memory_space<vmem_shared>>
        %dma_start3A_40 = arith.constant 0 : i32
        %dma_start3A_41 = tpu.memref_slice %arg6[%add3A_37, %dma_start3A_40] : memref<10240x128xf32, #tpu.memory_space<vmem_shared>> -> memref<128x128xf32, #tpu.memory_space<vmem_shared>>
        tpu.enqueue_dma source(%arg7 : memref<128x128xf32, #tpu.memory_space<vmem>>) target(%dma_start3A_41 : memref<128x128xf32, #tpu.memory_space<vmem_shared>>) target_semaphore(%run_scoped3A : memref<!tpu.dma_semaphore, #tpu.memory_space<semaphore_mem>>)
        %dma_wait3A = arith.constant 0 : i32
        %dma_wait3A_42 = tpu.memref_slice %arg6[%add3A_37, %dma_wait3A] : memref<10240x128xf32, #tpu.memory_space<vmem_shared>> -> memref<128x128xf32, #tpu.memory_space<vmem_shared>>
        %dma_wait3A_43 = arith.constant 0 : i32
        %dma_wait3A_44 = tpu.memref_slice %arg6[%add3A_37, %dma_wait3A_43] : memref<10240x128xf32, #tpu.memory_space<vmem_shared>> -> memref<128x128xf32, #tpu.memory_space<vmem_shared>>
        tpu.wait_dma2 semaphore(%run_scoped3A : memref<!tpu.dma_semaphore, #tpu.memory_space<semaphore_mem>>) src(%arg7 : memref<128x128xf32, #tpu.memory_space<vmem>>) dst(%dma_wait3A_44 : memref<128x128xf32, #tpu.memory_space<vmem_shared>>)
        tpu.yield
      }) : () -> ()
      %scan3A_38 = arith.constant 0 : i32
      scf.yield %scan3A_38 : i32
    }
    %scan3A_15 = arith.constant 5 : i32
    %barrier3A = arith.constant 0 : index
    tpu.barrier barrier_id(%barrier3A)
    %mul3A_16 = arith.constant 10000 : i32
    %mul3A_17 = arith.muli %add3A, %mul3A_16 : i32
    %scan3A_18 = arith.constant 0 : i32
    %scan3A_19 = arith.constant 0 : i32
    %scan3A_20 = arith.constant 125 : i32
    %scan3A_21 = arith.addi %scan3A_19, %scan3A_20 : i32
    %scan3A_22 = arith.constant 1 : i32
    %scan3A_23 = scf.for %scan3A_33 = %scan3A_19 to %scan3A_21 step %scan3A_22 iter_args(%scan3A_34 = %scan3A_18) -> (i32)  : i32 {
      %mul3A_35 = arith.constant 80 : i32
      %mul3A_36 = arith.muli %scan3A_33, %mul3A_35 : i32
      %add3A_37 = arith.addi %mul3A_17, %mul3A_36 : i32
      "tpu.region"() ({
        %run_scoped3A = tpu.sem_alloc : memref<!tpu.dma_semaphore, #tpu.memory_space<semaphore_mem>>
        %dma_start3A_43 = tpu.memref_slice %arg3[%add3A_37] : memref<320000xi32, #tpu.memory_space<hbm>> -> memref<80xi32, #tpu.memory_space<hbm>>
        %dma_start3A_44 = tpu.memref_slice %arg3[%add3A_37] : memref<320000xi32, #tpu.memory_space<hbm>> -> memref<80xi32, #tpu.memory_space<hbm>>
        tpu.enqueue_dma source(%dma_start3A_44 : memref<80xi32, #tpu.memory_space<hbm>>) target(%arg8 : memref<80xi32, #tpu.memory_space<vmem>>) target_semaphore(%run_scoped3A : memref<!tpu.dma_semaphore, #tpu.memory_space<semaphore_mem>>)
        %dma_wait3A_45 = tpu.memref_slice %arg3[%add3A_37] : memref<320000xi32, #tpu.memory_space<hbm>> -> memref<80xi32, #tpu.memory_space<hbm>>
        %dma_wait3A_46 = tpu.memref_slice %arg3[%add3A_37] : memref<320000xi32, #tpu.memory_space<hbm>> -> memref<80xi32, #tpu.memory_space<hbm>>
        tpu.wait_dma2 semaphore(%run_scoped3A : memref<!tpu.dma_semaphore, #tpu.memory_space<semaphore_mem>>) src(%dma_wait3A_46 : memref<80xi32, #tpu.memory_space<hbm>>) dst(%arg8 : memref<80xi32, #tpu.memory_space<vmem>>)
        tpu.yield
      }) : () -> ()
      "tpu.region"() ({
        %run_scoped3A = tpu.sem_alloc : memref<!tpu.dma_semaphore, #tpu.memory_space<semaphore_mem>>
        %dma_start3A_43 = tpu.memref_slice %arg4[%add3A_37] : memref<320000xi32, #tpu.memory_space<hbm>> -> memref<80xi32, #tpu.memory_space<hbm>>
        %dma_start3A_44 = tpu.memref_slice %arg4[%add3A_37] : memref<320000xi32, #tpu.memory_space<hbm>> -> memref<80xi32, #tpu.memory_space<hbm>>
        tpu.enqueue_dma source(%dma_start3A_44 : memref<80xi32, #tpu.memory_space<hbm>>) target(%arg9 : memref<80xi32, #tpu.memory_space<vmem>>) target_semaphore(%run_scoped3A : memref<!tpu.dma_semaphore, #tpu.memory_space<semaphore_mem>>)
        %dma_wait3A_45 = tpu.memref_slice %arg4[%add3A_37] : memref<320000xi32, #tpu.memory_space<hbm>> -> memref<80xi32, #tpu.memory_space<hbm>>
        %dma_wait3A_46 = tpu.memref_slice %arg4[%add3A_37] : memref<320000xi32, #tpu.memory_space<hbm>> -> memref<80xi32, #tpu.memory_space<hbm>>
        tpu.wait_dma2 semaphore(%run_scoped3A : memref<!tpu.dma_semaphore, #tpu.memory_space<semaphore_mem>>) src(%dma_wait3A_46 : memref<80xi32, #tpu.memory_space<hbm>>) dst(%arg9 : memref<80xi32, #tpu.memory_space<vmem>>)
        tpu.yield
      }) : () -> ()
      %dma_start3A = arith.constant 0 : i32
      %dma_start3A_38 = arith.constant 0 : i32
      %dma_start3A_39 = tpu.memref_slice %arg2[%dma_start3A, %dma_start3A_38] : memref<10240x128xf32, #tpu.memory_space<hbm>> -> memref<10240x128xf32, #tpu.memory_space<hbm>>
      tpu.enqueue_indirect_dma source(%dma_start3A_39 : memref<10240x128xf32, #tpu.memory_space<hbm>>) target(%arg10 : memref<80x128xf32, #tpu.memory_space<vmem>>) offsets(%arg8 : memref<80xi32, #tpu.memory_space<vmem>>) semaphore(%arg11 : memref<!tpu.dma_semaphore, #tpu.memory_space<semaphore_mem>>)
      %dma_wait3A = arith.constant 0 : i32
      %dma_wait3A_40 = arith.constant 0 : i32
      %dma_wait3A_41 = tpu.memref_slice %arg2[%dma_wait3A, %dma_wait3A_40] : memref<10240x128xf32, #tpu.memory_space<hbm>> -> memref<10240x128xf32, #tpu.memory_space<hbm>>
      tpu.wait_indirect_dma semaphore(%arg11 : memref<!tpu.dma_semaphore, #tpu.memory_space<semaphore_mem>>) src(%dma_wait3A_41 : memref<10240x128xf32, #tpu.memory_space<hbm>>) dst(%arg10 : memref<80x128xf32, #tpu.memory_space<vmem>>)
      "tpu.region"() ({
        %run_scoped3A = tpu.sem_alloc : memref<!tpu.dma_semaphore, #tpu.memory_space<semaphore_mem>>
        %dma_start3A_43 = arith.constant 0 : i32
        %dma_start3A_44 = arith.constant 0 : i32
        %dma_start3A_45 = tpu.memref_slice %arg6[%dma_start3A_43, %dma_start3A_44] : memref<10240x128xf32, #tpu.memory_space<vmem_shared>> -> memref<10240x128xf32, #tpu.memory_space<vmem_shared>>
        tpu.enqueue_indirect_dma source(%arg10 : memref<80x128xf32, #tpu.memory_space<vmem>>) target(%dma_start3A_45 : memref<10240x128xf32, #tpu.memory_space<vmem_shared>>) offsets(%arg9 : memref<80xi32, #tpu.memory_space<vmem>>) semaphore(%run_scoped3A : memref<!tpu.dma_semaphore, #tpu.memory_space<semaphore_mem>>) {add = true}
        %dma_wait3A_46 = arith.constant 0 : i32
        %dma_wait3A_47 = arith.constant 0 : i32
        %dma_wait3A_48 = tpu.memref_slice %arg6[%dma_wait3A_46, %dma_wait3A_47] : memref<10240x128xf32, #tpu.memory_space<vmem_shared>> -> memref<10240x128xf32, #tpu.memory_space<vmem_shared>>
        tpu.wait_indirect_dma semaphore(%run_scoped3A : memref<!tpu.dma_semaphore, #tpu.memory_space<semaphore_mem>>) src(%arg10 : memref<80x128xf32, #tpu.memory_space<vmem>>) dst(%dma_wait3A_48 : memref<10240x128xf32, #tpu.memory_space<vmem_shared>>)
        tpu.yield
      }) : () -> ()
      %scan3A_42 = arith.constant 0 : i32
      scf.yield %scan3A_42 : i32
    }
    %scan3A_24 = arith.constant 125 : i32
    %barrier3A_25 = arith.constant 0 : index
    tpu.barrier barrier_id(%barrier3A_25)
    %scan3A_26 = arith.constant 0 : i32
    %scan3A_27 = arith.constant 0 : i32
    %scan3A_28 = arith.constant 5 : i32
    %scan3A_29 = arith.addi %scan3A_27, %scan3A_28 : i32
    %scan3A_30 = arith.constant 1 : i32
    %scan3A_31 = scf.for %scan3A_33 = %scan3A_27 to %scan3A_29 step %scan3A_30 iter_args(%scan3A_34 = %scan3A_26) -> (i32)  : i32 {
      %mul3A_35 = arith.constant 128 : i32
      %mul3A_36 = arith.muli %scan3A_33, %mul3A_35 : i32
      %add3A_37 = arith.addi %mul3A_8, %mul3A_36 : i32
      "tpu.region"() ({
        %run_scoped3A = tpu.sem_alloc : memref<!tpu.dma_semaphore, #tpu.memory_space<semaphore_mem>>
        %dma_start3A = arith.constant 0 : i32
        %dma_start3A_42 = tpu.memref_slice %arg6[%add3A_37, %dma_start3A] : memref<10240x128xf32, #tpu.memory_space<vmem_shared>> -> memref<128x128xf32, #tpu.memory_space<vmem_shared>>
        %dma_start3A_43 = arith.constant 0 : i32
        %dma_start3A_44 = tpu.memref_slice %arg6[%add3A_37, %dma_start3A_43] : memref<10240x128xf32, #tpu.memory_space<vmem_shared>> -> memref<128x128xf32, #tpu.memory_space<vmem_shared>>
        tpu.enqueue_dma source(%dma_start3A_44 : memref<128x128xf32, #tpu.memory_space<vmem_shared>>) target(%arg7 : memref<128x128xf32, #tpu.memory_space<vmem>>) target_semaphore(%run_scoped3A : memref<!tpu.dma_semaphore, #tpu.memory_space<semaphore_mem>>)
        %dma_wait3A = arith.constant 0 : i32
        %dma_wait3A_45 = tpu.memref_slice %arg6[%add3A_37, %dma_wait3A] : memref<10240x128xf32, #tpu.memory_space<vmem_shared>> -> memref<128x128xf32, #tpu.memory_space<vmem_shared>>
        %dma_wait3A_46 = arith.constant 0 : i32
        %dma_wait3A_47 = tpu.memref_slice %arg6[%add3A_37, %dma_wait3A_46] : memref<10240x128xf32, #tpu.memory_space<vmem_shared>> -> memref<128x128xf32, #tpu.memory_space<vmem_shared>>
        tpu.wait_dma2 semaphore(%run_scoped3A : memref<!tpu.dma_semaphore, #tpu.memory_space<semaphore_mem>>) src(%dma_wait3A_47 : memref<128x128xf32, #tpu.memory_space<vmem_shared>>) dst(%arg7 : memref<128x128xf32, #tpu.memory_space<vmem>>)
        tpu.yield
      }) : () -> ()
      %mul3A_38 = arith.constant 128 : i32
      %mul3A_39 = arith.muli %scan3A_33, %mul3A_38 : i32
      %add3A_40 = arith.addi %mul3A_8, %mul3A_39 : i32
      "tpu.region"() ({
        %run_scoped3A = tpu.sem_alloc : memref<!tpu.dma_semaphore, #tpu.memory_space<semaphore_mem>>
        %dma_start3A = arith.constant 0 : i32
        %dma_start3A_42 = tpu.memref_slice %arg5[%arg0, %add3A_40, %dma_start3A] : memref<2x10240x128xf32, #tpu.memory_space<hbm>> -> memref<1x128x128xf32, #tpu.memory_space<hbm>>
        %dma_start3A_43 = tpu.memref_squeeze %dma_start3A_42 : memref<1x128x128xf32, #tpu.memory_space<hbm>> -> memref<128x128xf32, #tpu.memory_space<hbm>>
        %dma_start3A_44 = arith.constant 0 : i32
        %dma_start3A_45 = tpu.memref_slice %arg5[%arg0, %add3A_40, %dma_start3A_44] : memref<2x10240x128xf32, #tpu.memory_space<hbm>> -> memref<1x128x128xf32, #tpu.memory_space<hbm>>
        %dma_start3A_46 = tpu.memref_squeeze %dma_start3A_45 : memref<1x128x128xf32, #tpu.memory_space<hbm>> -> memref<128x128xf32, #tpu.memory_space<hbm>>
        tpu.enqueue_dma source(%arg7 : memref<128x128xf32, #tpu.memory_space<vmem>>) target(%dma_start3A_46 : memref<128x128xf32, #tpu.memory_space<hbm>>) target_semaphore(%run_scoped3A : memref<!tpu.dma_semaphore, #tpu.memory_space<semaphore_mem>>)
        %dma_wait3A = arith.constant 0 : i32
        %dma_wait3A_47 = tpu.memref_slice %arg5[%arg0, %add3A_40, %dma_wait3A] : memref<2x10240x128xf32, #tpu.memory_space<hbm>> -> memref<1x128x128xf32, #tpu.memory_space<hbm>>
        %dma_wait3A_48 = tpu.memref_squeeze %dma_wait3A_47 : memref<1x128x128xf32, #tpu.memory_space<hbm>> -> memref<128x128xf32, #tpu.memory_space<hbm>>
        %dma_wait3A_49 = arith.constant 0 : i32
        %dma_wait3A_50 = tpu.memref_slice %arg5[%arg0, %add3A_40, %dma_wait3A_49] : memref<2x10240x128xf32, #tpu.memory_space<hbm>> -> memref<1x128x128xf32, #tpu.memory_space<hbm>>
        %dma_wait3A_51 = tpu.memref_squeeze %dma_wait3A_50 : memref<1x128x128xf32, #tpu.memory_space<hbm>> -> memref<128x128xf32, #tpu.memory_space<hbm>>
        tpu.wait_dma2 semaphore(%run_scoped3A : memref<!tpu.dma_semaphore, #tpu.memory_space<semaphore_mem>>) src(%arg7 : memref<128x128xf32, #tpu.memory_space<vmem>>) dst(%dma_wait3A_51 : memref<128x128xf32, #tpu.memory_space<hbm>>)
        tpu.yield
      }) : () -> ()
      %scan3A_41 = arith.constant 0 : i32
      scf.yield %scan3A_41 : i32
    }
    %scan3A_32 = arith.constant 5 : i32
    return
  }
}

#map = affine_map<(d0, d1) -> (0)>
#map1 = affine_map<(d0, d1) -> (0, 0)>
module attributes {stable_mosaic.version = 14 : i64} {
  func.func @_sc_degrees(%arg0: i32, %arg1: i32, %arg2: memref<640000xi32, #tpu.memory_space<hbm>>, %arg3: memref<2x10240xf32, #tpu.memory_space<hbm>>, %arg4: memref<10240xf32, #tpu.memory_space<vmem_shared>>, %arg5: memref<640xf32, #tpu.memory_space<vmem>>, %arg6: memref<80xi32, #tpu.memory_space<vmem>>, %arg7: memref<80xf32, #tpu.memory_space<vmem>>) attributes {dimension_semantics = [#tpu.dimension_semantics<core_parallel>, #tpu.dimension_semantics<subcore_parallel>], iteration_bounds = array<i64: 2, 16>, scalar_prefetch = 0 : i64, scratch_operands = 4 : i64, tpu.core_type = #tpu.core_type<sc_vector_subcore>, window_params = [{transform_indices = #map}, {transform_indices = #map1}]} {
    %scan3A = arith.constant 0 : i32
    %scan3A_0 = arith.constant 0 : i32
    %scan3A_1 = arith.constant 40 : i32
    %scan3A_2 = arith.addi %scan3A_0, %scan3A_1 : i32
    %scan3A_3 = arith.constant 1 : i32
    %scan3A_4 = scf.for %scan3A_22 = %scan3A_0 to %scan3A_2 step %scan3A_3 iter_args(%scan3A_23 = %scan3A) -> (i32)  : i32 {
      %broadcast_in_dim3A = arith.constant 0.000000e+00 : f32
      %broadcast_in_dim3A_24 = vector.broadcast %broadcast_in_dim3A : f32 to vector<16xf32>
      %mul3A_25 = arith.constant 16 : i32
      %mul3A_26 = arith.muli %scan3A_22, %mul3A_25 : i32
      %swap3A = arith.index_cast %mul3A_26 : i32 to index
      %swap3A_27 = tpu.vector_load %arg5[%swap3A] {strides = array<i32>} : memref<640xf32, #tpu.memory_space<vmem>>, vector<16xf32>,
      %swap3A_28 = vector.shape_cast %swap3A_27 : vector<16xf32> to vector<16xf32>
      %swap3A_29 = vector.shape_cast %broadcast_in_dim3A_24 : vector<16xf32> to vector<16xf32>
      tpu.vector_store %arg5[%swap3A], %swap3A_29 {strides = array<i32>} : memref<640xf32, #tpu.memory_space<vmem>>, vector<16xf32>,
      %scan3A_30 = arith.constant 0 : i32
      scf.yield %scan3A_30 : i32
    }
    %scan3A_5 = arith.constant 40 : i32
    %scan3A_6 = arith.constant 0 : i32
    %scan3A_7 = arith.constant 0 : i32
    %scan3A_8 = arith.constant 5 : i32
    %scan3A_9 = arith.addi %scan3A_7, %scan3A_8 : i32
    %scan3A_10 = arith.constant 1 : i32
    %scan3A_11 = scf.for %scan3A_22 = %scan3A_7 to %scan3A_9 step %scan3A_10 iter_args(%scan3A_23 = %scan3A_6) -> (i32)  : i32 {
      %broadcast_in_dim3A = arith.constant 1.000000e+00 : f32
      %broadcast_in_dim3A_24 = vector.broadcast %broadcast_in_dim3A : f32 to vector<16xf32>
      %mul3A_25 = arith.constant 16 : i32
      %mul3A_26 = arith.muli %scan3A_22, %mul3A_25 : i32
      %swap3A = arith.index_cast %mul3A_26 : i32 to index
      %swap3A_27 = tpu.vector_load %arg7[%swap3A] {strides = array<i32>} : memref<80xf32, #tpu.memory_space<vmem>>, vector<16xf32>,
      %swap3A_28 = vector.shape_cast %swap3A_27 : vector<16xf32> to vector<16xf32>
      %swap3A_29 = vector.shape_cast %broadcast_in_dim3A_24 : vector<16xf32> to vector<16xf32>
      tpu.vector_store %arg7[%swap3A], %swap3A_29 {strides = array<i32>} : memref<80xf32, #tpu.memory_space<vmem>>, vector<16xf32>,
      %scan3A_30 = arith.constant 0 : i32
      scf.yield %scan3A_30 : i32
    }
    %scan3A_12 = arith.constant 5 : i32
    %mul3A = arith.constant 640 : i32
    %mul3A_13 = arith.muli %arg1, %mul3A : i32
    "tpu.region"() ({
      %run_scoped3A = tpu.sem_alloc : memref<!tpu.dma_semaphore, #tpu.memory_space<semaphore_mem>>
      %dma_start3A = tpu.memref_slice %arg4[%mul3A_13] : memref<10240xf32, #tpu.memory_space<vmem_shared>> -> memref<640xf32, #tpu.memory_space<vmem_shared>>
      %dma_start3A_22 = tpu.memref_slice %arg4[%mul3A_13] : memref<10240xf32, #tpu.memory_space<vmem_shared>> -> memref<640xf32, #tpu.memory_space<vmem_shared>>
      tpu.enqueue_dma source(%arg5 : memref<640xf32, #tpu.memory_space<vmem>>) target(%dma_start3A_22 : memref<640xf32, #tpu.memory_space<vmem_shared>>) target_semaphore(%run_scoped3A : memref<!tpu.dma_semaphore, #tpu.memory_space<semaphore_mem>>)
      %dma_wait3A = tpu.memref_slice %arg4[%mul3A_13] : memref<10240xf32, #tpu.memory_space<vmem_shared>> -> memref<640xf32, #tpu.memory_space<vmem_shared>>
      %dma_wait3A_23 = tpu.memref_slice %arg4[%mul3A_13] : memref<10240xf32, #tpu.memory_space<vmem_shared>> -> memref<640xf32, #tpu.memory_space<vmem_shared>>
      tpu.wait_dma2 semaphore(%run_scoped3A : memref<!tpu.dma_semaphore, #tpu.memory_space<semaphore_mem>>) src(%arg5 : memref<640xf32, #tpu.memory_space<vmem>>) dst(%dma_wait3A_23 : memref<640xf32, #tpu.memory_space<vmem_shared>>)
      tpu.yield
    }) : () -> ()
    %barrier3A = arith.constant 0 : index
    tpu.barrier barrier_id(%barrier3A)
    %scan3A_14 = arith.constant 0 : i32
    %scan3A_15 = arith.constant 0 : i32
    %scan3A_16 = arith.constant 250 : i32
    %scan3A_17 = arith.addi %scan3A_15, %scan3A_16 : i32
    %scan3A_18 = arith.constant 1 : i32
    %scan3A_19 = scf.for %scan3A_22 = %scan3A_15 to %scan3A_17 step %scan3A_18 iter_args(%scan3A_23 = %scan3A_14) -> (i32)  : i32 {
      %mul3A_24 = arith.constant 320000 : i32
      %mul3A_25 = arith.muli %arg0, %mul3A_24 : i32
      %mul3A_26 = arith.constant 20000 : i32
      %mul3A_27 = arith.muli %arg1, %mul3A_26 : i32
      %add3A = arith.addi %mul3A_25, %mul3A_27 : i32
      %mul3A_28 = arith.constant 80 : i32
      %mul3A_29 = arith.muli %scan3A_22, %mul3A_28 : i32
      %add3A_30 = arith.addi %add3A, %mul3A_29 : i32
      "tpu.region"() ({
        %run_scoped3A = tpu.sem_alloc : memref<!tpu.dma_semaphore, #tpu.memory_space<semaphore_mem>>
        %dma_start3A = tpu.memref_slice %arg2[%add3A_30] : memref<640000xi32, #tpu.memory_space<hbm>> -> memref<80xi32, #tpu.memory_space<hbm>>
        %dma_start3A_32 = tpu.memref_slice %arg2[%add3A_30] : memref<640000xi32, #tpu.memory_space<hbm>> -> memref<80xi32, #tpu.memory_space<hbm>>
        tpu.enqueue_dma source(%dma_start3A_32 : memref<80xi32, #tpu.memory_space<hbm>>) target(%arg6 : memref<80xi32, #tpu.memory_space<vmem>>) target_semaphore(%run_scoped3A : memref<!tpu.dma_semaphore, #tpu.memory_space<semaphore_mem>>)
        %dma_wait3A = tpu.memref_slice %arg2[%add3A_30] : memref<640000xi32, #tpu.memory_space<hbm>> -> memref<80xi32, #tpu.memory_space<hbm>>
        %dma_wait3A_33 = tpu.memref_slice %arg2[%add3A_30] : memref<640000xi32, #tpu.memory_space<hbm>> -> memref<80xi32, #tpu.memory_space<hbm>>
        tpu.wait_dma2 semaphore(%run_scoped3A : memref<!tpu.dma_semaphore, #tpu.memory_space<semaphore_mem>>) src(%dma_wait3A_33 : memref<80xi32, #tpu.memory_space<hbm>>) dst(%arg6 : memref<80xi32, #tpu.memory_space<vmem>>)
        tpu.yield
      }) : () -> ()
      "tpu.region"() ({
        %run_scoped3A = tpu.sem_alloc : memref<!tpu.dma_semaphore, #tpu.memory_space<semaphore_mem>>
        %dma_start3A = arith.constant 0 : i32
        %dma_start3A_32 = tpu.memref_slice %arg4[%dma_start3A] : memref<10240xf32, #tpu.memory_space<vmem_shared>> -> memref<10240xf32, #tpu.memory_space<vmem_shared>>
        tpu.enqueue_indirect_dma source(%arg7 : memref<80xf32, #tpu.memory_space<vmem>>) target(%dma_start3A_32 : memref<10240xf32, #tpu.memory_space<vmem_shared>>) offsets(%arg6 : memref<80xi32, #tpu.memory_space<vmem>>) semaphore(%run_scoped3A : memref<!tpu.dma_semaphore, #tpu.memory_space<semaphore_mem>>) {add = true}
        %dma_wait3A = arith.constant 0 : i32
        %dma_wait3A_33 = tpu.memref_slice %arg4[%dma_wait3A] : memref<10240xf32, #tpu.memory_space<vmem_shared>> -> memref<10240xf32, #tpu.memory_space<vmem_shared>>
        tpu.wait_indirect_dma semaphore(%run_scoped3A : memref<!tpu.dma_semaphore, #tpu.memory_space<semaphore_mem>>) src(%arg7 : memref<80xf32, #tpu.memory_space<vmem>>) dst(%dma_wait3A_33 : memref<10240xf32, #tpu.memory_space<vmem_shared>>)
        tpu.yield
      }) : () -> ()
      %scan3A_31 = arith.constant 0 : i32
      scf.yield %scan3A_31 : i32
    }
    %scan3A_20 = arith.constant 250 : i32
    %barrier3A_21 = arith.constant 0 : index
    tpu.barrier barrier_id(%barrier3A_21)
    "tpu.region"() ({
      %run_scoped3A = tpu.sem_alloc : memref<!tpu.dma_semaphore, #tpu.memory_space<semaphore_mem>>
      %dma_start3A = tpu.memref_slice %arg4[%mul3A_13] : memref<10240xf32, #tpu.memory_space<vmem_shared>> -> memref<640xf32, #tpu.memory_space<vmem_shared>>
      %dma_start3A_22 = tpu.memref_slice %arg4[%mul3A_13] : memref<10240xf32, #tpu.memory_space<vmem_shared>> -> memref<640xf32, #tpu.memory_space<vmem_shared>>
      tpu.enqueue_dma source(%dma_start3A_22 : memref<640xf32, #tpu.memory_space<vmem_shared>>) target(%arg5 : memref<640xf32, #tpu.memory_space<vmem>>) target_semaphore(%run_scoped3A : memref<!tpu.dma_semaphore, #tpu.memory_space<semaphore_mem>>)
      %dma_wait3A = tpu.memref_slice %arg4[%mul3A_13] : memref<10240xf32, #tpu.memory_space<vmem_shared>> -> memref<640xf32, #tpu.memory_space<vmem_shared>>
      %dma_wait3A_23 = tpu.memref_slice %arg4[%mul3A_13] : memref<10240xf32, #tpu.memory_space<vmem_shared>> -> memref<640xf32, #tpu.memory_space<vmem_shared>>
      tpu.wait_dma2 semaphore(%run_scoped3A : memref<!tpu.dma_semaphore, #tpu.memory_space<semaphore_mem>>) src(%dma_wait3A_23 : memref<640xf32, #tpu.memory_space<vmem_shared>>) dst(%arg5 : memref<640xf32, #tpu.memory_space<vmem>>)
      tpu.yield
    }) : () -> ()
    "tpu.region"() ({
      %run_scoped3A = tpu.sem_alloc : memref<!tpu.dma_semaphore, #tpu.memory_space<semaphore_mem>>
      %dma_start3A = tpu.memref_slice %arg3[%arg0, %mul3A_13] : memref<2x10240xf32, #tpu.memory_space<hbm>> -> memref<1x640xf32, #tpu.memory_space<hbm>>
      %dma_start3A_22 = tpu.memref_squeeze %dma_start3A : memref<1x640xf32, #tpu.memory_space<hbm>> -> memref<640xf32, #tpu.memory_space<hbm>>
      %dma_start3A_23 = tpu.memref_slice %arg3[%arg0, %mul3A_13] : memref<2x10240xf32, #tpu.memory_space<hbm>> -> memref<1x640xf32, #tpu.memory_space<hbm>>
      %dma_start3A_24 = tpu.memref_squeeze %dma_start3A_23 : memref<1x640xf32, #tpu.memory_space<hbm>> -> memref<640xf32, #tpu.memory_space<hbm>>
      tpu.enqueue_dma source(%arg5 : memref<640xf32, #tpu.memory_space<vmem>>) target(%dma_start3A_24 : memref<640xf32, #tpu.memory_space<hbm>>) target_semaphore(%run_scoped3A : memref<!tpu.dma_semaphore, #tpu.memory_space<semaphore_mem>>)
      %dma_wait3A = tpu.memref_slice %arg3[%arg0, %mul3A_13] : memref<2x10240xf32, #tpu.memory_space<hbm>> -> memref<1x640xf32, #tpu.memory_space<hbm>>
      %dma_wait3A_25 = tpu.memref_squeeze %dma_wait3A : memref<1x640xf32, #tpu.memory_space<hbm>> -> memref<640xf32, #tpu.memory_space<hbm>>
      %dma_wait3A_26 = tpu.memref_slice %arg3[%arg0, %mul3A_13] : memref<2x10240xf32, #tpu.memory_space<hbm>> -> memref<1x640xf32, #tpu.memory_space<hbm>>
      %dma_wait3A_27 = tpu.memref_squeeze %dma_wait3A_26 : memref<1x640xf32, #tpu.memory_space<hbm>> -> memref<640xf32, #tpu.memory_space<hbm>>
      tpu.wait_dma2 semaphore(%run_scoped3A : memref<!tpu.dma_semaphore, #tpu.memory_space<semaphore_mem>>) src(%arg5 : memref<640xf32, #tpu.memory_space<vmem>>) dst(%dma_wait3A_27 : memref<640xf32, #tpu.memory_space<hbm>>)
      tpu.yield
    }) : () -> ()
    return
  }
}

#map = affine_map<(d0, d1) -> (0, 0)>
#map1 = affine_map<(d0, d1) -> (0)>
#map2 = affine_map<(d0, d1) -> (0, 0, 0)>
module attributes {stable_mosaic.version = 14 : i64} {
  func.func @_sc_aggregate(%arg0: i32, %arg1: i32, %arg2: memref<10240x128xf32, #tpu.memory_space<hbm>>, %arg3: memref<320000xi32, #tpu.memory_space<hbm>>, %arg4: memref<320000xi32, #tpu.memory_space<hbm>>, %arg5: memref<2x10240x128xf32, #tpu.memory_space<hbm>>, %arg6: memref<10240x128xf32, #tpu.memory_space<vmem_shared>>, %arg7: memref<128x128xf32, #tpu.memory_space<vmem>>, %arg8: memref<80xi32, #tpu.memory_space<vmem>>, %arg9: memref<80xi32, #tpu.memory_space<vmem>>, %arg10: memref<80x128xf32, #tpu.memory_space<vmem>>, %arg11: memref<!tpu.dma_semaphore, #tpu.memory_space<semaphore_mem>>) attributes {dimension_semantics = [#tpu.dimension_semantics<core_parallel>, #tpu.dimension_semantics<subcore_parallel>], iteration_bounds = array<i64: 2, 16>, scalar_prefetch = 0 : i64, scratch_operands = 6 : i64, tpu.core_type = #tpu.core_type<sc_vector_subcore>, window_params = [{transform_indices = #map}, {transform_indices = #map1}, {transform_indices = #map1}, {transform_indices = #map2}]} {
    %mul3A = arith.constant 16 : i32
    %mul3A_0 = arith.muli %arg0, %mul3A : i32
    %add3A = arith.addi %mul3A_0, %arg1 : i32
    %scan3A = arith.constant 0 : i32
    %scan3A_1 = arith.constant 0 : i32
    %scan3A_2 = arith.constant 128 : i32
    %scan3A_3 = arith.addi %scan3A_1, %scan3A_2 : i32
    %scan3A_4 = arith.constant 1 : i32
    %scan3A_5 = scf.for %scan3A_33 = %scan3A_1 to %scan3A_3 step %scan3A_4 iter_args(%scan3A_34 = %scan3A) -> (i32)  : i32 {
      %scan3A_35 = arith.constant 0 : i32
      %scan3A_36 = arith.constant 0 : i32
      %scan3A_37 = arith.constant 8 : i32
      %scan3A_38 = arith.addi %scan3A_36, %scan3A_37 : i32
      %scan3A_39 = arith.constant 1 : i32
      %scan3A_40 = scf.for %scan3A_43 = %scan3A_36 to %scan3A_38 step %scan3A_39 iter_args(%scan3A_44 = %scan3A_35) -> (i32)  : i32 {
        %broadcast_in_dim3A = arith.constant 0.000000e+00 : f32
        %broadcast_in_dim3A_45 = vector.broadcast %broadcast_in_dim3A : f32 to vector<16xf32>
        %mul3A_46 = arith.constant 16 : i32
        %mul3A_47 = arith.muli %scan3A_43, %mul3A_46 : i32
        %swap3A = arith.index_cast %scan3A_33 : i32 to index
        %swap3A_48 = arith.index_cast %mul3A_47 : i32 to index
        %swap3A_49 = tpu.vector_load %arg7[%swap3A, %swap3A_48] {strides = array<i32>} : memref<128x128xf32, #tpu.memory_space<vmem>>, vector<1x16xf32>,
        %swap3A_50 = vector.shape_cast %swap3A_49 : vector<1x16xf32> to vector<16xf32>
        %swap3A_51 = vector.shape_cast %broadcast_in_dim3A_45 : vector<16xf32> to vector<1x16xf32>
        tpu.vector_store %arg7[%swap3A, %swap3A_48], %swap3A_51 {strides = array<i32>} : memref<128x128xf32, #tpu.memory_space<vmem>>, vector<1x16xf32>,
        %scan3A_52 = arith.constant 0 : i32
        scf.yield %scan3A_52 : i32
      }
      %scan3A_41 = arith.constant 8 : i32
      %scan3A_42 = arith.constant 0 : i32
      scf.yield %scan3A_42 : i32
    }
    %scan3A_6 = arith.constant 128 : i32
    %mul3A_7 = arith.constant 640 : i32
    %mul3A_8 = arith.muli %arg1, %mul3A_7 : i32
    %scan3A_9 = arith.constant 0 : i32
    %scan3A_10 = arith.constant 0 : i32
    %scan3A_11 = arith.constant 5 : i32
    %scan3A_12 = arith.addi %scan3A_10, %scan3A_11 : i32
    %scan3A_13 = arith.constant 1 : i32
    %scan3A_14 = scf.for %scan3A_33 = %scan3A_10 to %scan3A_12 step %scan3A_13 iter_args(%scan3A_34 = %scan3A_9) -> (i32)  : i32 {
      %mul3A_35 = arith.constant 128 : i32
      %mul3A_36 = arith.muli %scan3A_33, %mul3A_35 : i32
      %add3A_37 = arith.addi %mul3A_8, %mul3A_36 : i32
      "tpu.region"() ({
        %run_scoped3A = tpu.sem_alloc : memref<!tpu.dma_semaphore, #tpu.memory_space<semaphore_mem>>
        %dma_start3A = arith.constant 0 : i32
        %dma_start3A_39 = tpu.memref_slice %arg6[%add3A_37, %dma_start3A] : memref<10240x128xf32, #tpu.memory_space<vmem_shared>> -> memref<128x128xf32, #tpu.memory_space<vmem_shared>>
        %dma_start3A_40 = arith.constant 0 : i32
        %dma_start3A_41 = tpu.memref_slice %arg6[%add3A_37, %dma_start3A_40] : memref<10240x128xf32, #tpu.memory_space<vmem_shared>> -> memref<128x128xf32, #tpu.memory_space<vmem_shared>>
        tpu.enqueue_dma source(%arg7 : memref<128x128xf32, #tpu.memory_space<vmem>>) target(%dma_start3A_41 : memref<128x128xf32, #tpu.memory_space<vmem_shared>>) target_semaphore(%run_scoped3A : memref<!tpu.dma_semaphore, #tpu.memory_space<semaphore_mem>>)
        %dma_wait3A = arith.constant 0 : i32
        %dma_wait3A_42 = tpu.memref_slice %arg6[%add3A_37, %dma_wait3A] : memref<10240x128xf32, #tpu.memory_space<vmem_shared>> -> memref<128x128xf32, #tpu.memory_space<vmem_shared>>
        %dma_wait3A_43 = arith.constant 0 : i32
        %dma_wait3A_44 = tpu.memref_slice %arg6[%add3A_37, %dma_wait3A_43] : memref<10240x128xf32, #tpu.memory_space<vmem_shared>> -> memref<128x128xf32, #tpu.memory_space<vmem_shared>>
        tpu.wait_dma2 semaphore(%run_scoped3A : memref<!tpu.dma_semaphore, #tpu.memory_space<semaphore_mem>>) src(%arg7 : memref<128x128xf32, #tpu.memory_space<vmem>>) dst(%dma_wait3A_44 : memref<128x128xf32, #tpu.memory_space<vmem_shared>>)
        tpu.yield
      }) : () -> ()
      %scan3A_38 = arith.constant 0 : i32
      scf.yield %scan3A_38 : i32
    }
    %scan3A_15 = arith.constant 5 : i32
    %barrier3A = arith.constant 0 : index
    tpu.barrier barrier_id(%barrier3A)
    %mul3A_16 = arith.constant 10000 : i32
    %mul3A_17 = arith.muli %add3A, %mul3A_16 : i32
    %scan3A_18 = arith.constant 0 : i32
    %scan3A_19 = arith.constant 0 : i32
    %scan3A_20 = arith.constant 125 : i32
    %scan3A_21 = arith.addi %scan3A_19, %scan3A_20 : i32
    %scan3A_22 = arith.constant 1 : i32
    %scan3A_23 = scf.for %scan3A_33 = %scan3A_19 to %scan3A_21 step %scan3A_22 iter_args(%scan3A_34 = %scan3A_18) -> (i32)  : i32 {
      %mul3A_35 = arith.constant 80 : i32
      %mul3A_36 = arith.muli %scan3A_33, %mul3A_35 : i32
      %add3A_37 = arith.addi %mul3A_17, %mul3A_36 : i32
      "tpu.region"() ({
        %run_scoped3A = tpu.sem_alloc : memref<!tpu.dma_semaphore, #tpu.memory_space<semaphore_mem>>
        %dma_start3A_43 = tpu.memref_slice %arg3[%add3A_37] : memref<320000xi32, #tpu.memory_space<hbm>> -> memref<80xi32, #tpu.memory_space<hbm>>
        %dma_start3A_44 = tpu.memref_slice %arg3[%add3A_37] : memref<320000xi32, #tpu.memory_space<hbm>> -> memref<80xi32, #tpu.memory_space<hbm>>
        tpu.enqueue_dma source(%dma_start3A_44 : memref<80xi32, #tpu.memory_space<hbm>>) target(%arg8 : memref<80xi32, #tpu.memory_space<vmem>>) target_semaphore(%run_scoped3A : memref<!tpu.dma_semaphore, #tpu.memory_space<semaphore_mem>>)
        %dma_wait3A_45 = tpu.memref_slice %arg3[%add3A_37] : memref<320000xi32, #tpu.memory_space<hbm>> -> memref<80xi32, #tpu.memory_space<hbm>>
        %dma_wait3A_46 = tpu.memref_slice %arg3[%add3A_37] : memref<320000xi32, #tpu.memory_space<hbm>> -> memref<80xi32, #tpu.memory_space<hbm>>
        tpu.wait_dma2 semaphore(%run_scoped3A : memref<!tpu.dma_semaphore, #tpu.memory_space<semaphore_mem>>) src(%dma_wait3A_46 : memref<80xi32, #tpu.memory_space<hbm>>) dst(%arg8 : memref<80xi32, #tpu.memory_space<vmem>>)
        tpu.yield
      }) : () -> ()
      "tpu.region"() ({
        %run_scoped3A = tpu.sem_alloc : memref<!tpu.dma_semaphore, #tpu.memory_space<semaphore_mem>>
        %dma_start3A_43 = tpu.memref_slice %arg4[%add3A_37] : memref<320000xi32, #tpu.memory_space<hbm>> -> memref<80xi32, #tpu.memory_space<hbm>>
        %dma_start3A_44 = tpu.memref_slice %arg4[%add3A_37] : memref<320000xi32, #tpu.memory_space<hbm>> -> memref<80xi32, #tpu.memory_space<hbm>>
        tpu.enqueue_dma source(%dma_start3A_44 : memref<80xi32, #tpu.memory_space<hbm>>) target(%arg9 : memref<80xi32, #tpu.memory_space<vmem>>) target_semaphore(%run_scoped3A : memref<!tpu.dma_semaphore, #tpu.memory_space<semaphore_mem>>)
        %dma_wait3A_45 = tpu.memref_slice %arg4[%add3A_37] : memref<320000xi32, #tpu.memory_space<hbm>> -> memref<80xi32, #tpu.memory_space<hbm>>
        %dma_wait3A_46 = tpu.memref_slice %arg4[%add3A_37] : memref<320000xi32, #tpu.memory_space<hbm>> -> memref<80xi32, #tpu.memory_space<hbm>>
        tpu.wait_dma2 semaphore(%run_scoped3A : memref<!tpu.dma_semaphore, #tpu.memory_space<semaphore_mem>>) src(%dma_wait3A_46 : memref<80xi32, #tpu.memory_space<hbm>>) dst(%arg9 : memref<80xi32, #tpu.memory_space<vmem>>)
        tpu.yield
      }) : () -> ()
      %dma_start3A = arith.constant 0 : i32
      %dma_start3A_38 = arith.constant 0 : i32
      %dma_start3A_39 = tpu.memref_slice %arg2[%dma_start3A, %dma_start3A_38] : memref<10240x128xf32, #tpu.memory_space<hbm>> -> memref<10240x128xf32, #tpu.memory_space<hbm>>
      tpu.enqueue_indirect_dma source(%dma_start3A_39 : memref<10240x128xf32, #tpu.memory_space<hbm>>) target(%arg10 : memref<80x128xf32, #tpu.memory_space<vmem>>) offsets(%arg8 : memref<80xi32, #tpu.memory_space<vmem>>) semaphore(%arg11 : memref<!tpu.dma_semaphore, #tpu.memory_space<semaphore_mem>>)
      %dma_wait3A = arith.constant 0 : i32
      %dma_wait3A_40 = arith.constant 0 : i32
      %dma_wait3A_41 = tpu.memref_slice %arg2[%dma_wait3A, %dma_wait3A_40] : memref<10240x128xf32, #tpu.memory_space<hbm>> -> memref<10240x128xf32, #tpu.memory_space<hbm>>
      tpu.wait_indirect_dma semaphore(%arg11 : memref<!tpu.dma_semaphore, #tpu.memory_space<semaphore_mem>>) src(%dma_wait3A_41 : memref<10240x128xf32, #tpu.memory_space<hbm>>) dst(%arg10 : memref<80x128xf32, #tpu.memory_space<vmem>>)
      "tpu.region"() ({
        %run_scoped3A = tpu.sem_alloc : memref<!tpu.dma_semaphore, #tpu.memory_space<semaphore_mem>>
        %dma_start3A_43 = arith.constant 0 : i32
        %dma_start3A_44 = arith.constant 0 : i32
        %dma_start3A_45 = tpu.memref_slice %arg6[%dma_start3A_43, %dma_start3A_44] : memref<10240x128xf32, #tpu.memory_space<vmem_shared>> -> memref<10240x128xf32, #tpu.memory_space<vmem_shared>>
        tpu.enqueue_indirect_dma source(%arg10 : memref<80x128xf32, #tpu.memory_space<vmem>>) target(%dma_start3A_45 : memref<10240x128xf32, #tpu.memory_space<vmem_shared>>) offsets(%arg9 : memref<80xi32, #tpu.memory_space<vmem>>) semaphore(%run_scoped3A : memref<!tpu.dma_semaphore, #tpu.memory_space<semaphore_mem>>) {add = true}
        %dma_wait3A_46 = arith.constant 0 : i32
        %dma_wait3A_47 = arith.constant 0 : i32
        %dma_wait3A_48 = tpu.memref_slice %arg6[%dma_wait3A_46, %dma_wait3A_47] : memref<10240x128xf32, #tpu.memory_space<vmem_shared>> -> memref<10240x128xf32, #tpu.memory_space<vmem_shared>>
        tpu.wait_indirect_dma semaphore(%run_scoped3A : memref<!tpu.dma_semaphore, #tpu.memory_space<semaphore_mem>>) src(%arg10 : memref<80x128xf32, #tpu.memory_space<vmem>>) dst(%dma_wait3A_48 : memref<10240x128xf32, #tpu.memory_space<vmem_shared>>)
        tpu.yield
      }) : () -> ()
      %scan3A_42 = arith.constant 0 : i32
      scf.yield %scan3A_42 : i32
    }
    %scan3A_24 = arith.constant 125 : i32
    %barrier3A_25 = arith.constant 0 : index
    tpu.barrier barrier_id(%barrier3A_25)
    %scan3A_26 = arith.constant 0 : i32
    %scan3A_27 = arith.constant 0 : i32
    %scan3A_28 = arith.constant 5 : i32
    %scan3A_29 = arith.addi %scan3A_27, %scan3A_28 : i32
    %scan3A_30 = arith.constant 1 : i32
    %scan3A_31 = scf.for %scan3A_33 = %scan3A_27 to %scan3A_29 step %scan3A_30 iter_args(%scan3A_34 = %scan3A_26) -> (i32)  : i32 {
      %mul3A_35 = arith.constant 128 : i32
      %mul3A_36 = arith.muli %scan3A_33, %mul3A_35 : i32
      %add3A_37 = arith.addi %mul3A_8, %mul3A_36 : i32
      "tpu.region"() ({
        %run_scoped3A = tpu.sem_alloc : memref<!tpu.dma_semaphore, #tpu.memory_space<semaphore_mem>>
        %dma_start3A = arith.constant 0 : i32
        %dma_start3A_42 = tpu.memref_slice %arg6[%add3A_37, %dma_start3A] : memref<10240x128xf32, #tpu.memory_space<vmem_shared>> -> memref<128x128xf32, #tpu.memory_space<vmem_shared>>
        %dma_start3A_43 = arith.constant 0 : i32
        %dma_start3A_44 = tpu.memref_slice %arg6[%add3A_37, %dma_start3A_43] : memref<10240x128xf32, #tpu.memory_space<vmem_shared>> -> memref<128x128xf32, #tpu.memory_space<vmem_shared>>
        tpu.enqueue_dma source(%dma_start3A_44 : memref<128x128xf32, #tpu.memory_space<vmem_shared>>) target(%arg7 : memref<128x128xf32, #tpu.memory_space<vmem>>) target_semaphore(%run_scoped3A : memref<!tpu.dma_semaphore, #tpu.memory_space<semaphore_mem>>)
        %dma_wait3A = arith.constant 0 : i32
        %dma_wait3A_45 = tpu.memref_slice %arg6[%add3A_37, %dma_wait3A] : memref<10240x128xf32, #tpu.memory_space<vmem_shared>> -> memref<128x128xf32, #tpu.memory_space<vmem_shared>>
        %dma_wait3A_46 = arith.constant 0 : i32
        %dma_wait3A_47 = tpu.memref_slice %arg6[%add3A_37, %dma_wait3A_46] : memref<10240x128xf32, #tpu.memory_space<vmem_shared>> -> memref<128x128xf32, #tpu.memory_space<vmem_shared>>
        tpu.wait_dma2 semaphore(%run_scoped3A : memref<!tpu.dma_semaphore, #tpu.memory_space<semaphore_mem>>) src(%dma_wait3A_47 : memref<128x128xf32, #tpu.memory_space<vmem_shared>>) dst(%arg7 : memref<128x128xf32, #tpu.memory_space<vmem>>)
        tpu.yield
      }) : () -> ()
      %mul3A_38 = arith.constant 128 : i32
      %mul3A_39 = arith.muli %scan3A_33, %mul3A_38 : i32
      %add3A_40 = arith.addi %mul3A_8, %mul3A_39 : i32
      "tpu.region"() ({
        %run_scoped3A = tpu.sem_alloc : memref<!tpu.dma_semaphore, #tpu.memory_space<semaphore_mem>>
        %dma_start3A = arith.constant 0 : i32
        %dma_start3A_42 = tpu.memref_slice %arg5[%arg0, %add3A_40, %dma_start3A] : memref<2x10240x128xf32, #tpu.memory_space<hbm>> -> memref<1x128x128xf32, #tpu.memory_space<hbm>>
        %dma_start3A_43 = tpu.memref_squeeze %dma_start3A_42 : memref<1x128x128xf32, #tpu.memory_space<hbm>> -> memref<128x128xf32, #tpu.memory_space<hbm>>
        %dma_start3A_44 = arith.constant 0 : i32
        %dma_start3A_45 = tpu.memref_slice %arg5[%arg0, %add3A_40, %dma_start3A_44] : memref<2x10240x128xf32, #tpu.memory_space<hbm>> -> memref<1x128x128xf32, #tpu.memory_space<hbm>>
        %dma_start3A_46 = tpu.memref_squeeze %dma_start3A_45 : memref<1x128x128xf32, #tpu.memory_space<hbm>> -> memref<128x128xf32, #tpu.memory_space<hbm>>
        tpu.enqueue_dma source(%arg7 : memref<128x128xf32, #tpu.memory_space<vmem>>) target(%dma_start3A_46 : memref<128x128xf32, #tpu.memory_space<hbm>>) target_semaphore(%run_scoped3A : memref<!tpu.dma_semaphore, #tpu.memory_space<semaphore_mem>>)
        %dma_wait3A = arith.constant 0 : i32
        %dma_wait3A_47 = tpu.memref_slice %arg5[%arg0, %add3A_40, %dma_wait3A] : memref<2x10240x128xf32, #tpu.memory_space<hbm>> -> memref<1x128x128xf32, #tpu.memory_space<hbm>>
        %dma_wait3A_48 = tpu.memref_squeeze %dma_wait3A_47 : memref<1x128x128xf32, #tpu.memory_space<hbm>> -> memref<128x128xf32, #tpu.memory_space<hbm>>
        %dma_wait3A_49 = arith.constant 0 : i32
        %dma_wait3A_50 = tpu.memref_slice %arg5[%arg0, %add3A_40, %dma_wait3A_49] : memref<2x10240x128xf32, #tpu.memory_space<hbm>> -> memref<1x128x128xf32, #tpu.memory_space<hbm>>
        %dma_wait3A_51 = tpu.memref_squeeze %dma_wait3A_50 : memref<1x128x128xf32, #tpu.memory_space<hbm>> -> memref<128x128xf32, #tpu.memory_space<hbm>>
        tpu.wait_dma2 semaphore(%run_scoped3A : memref<!tpu.dma_semaphore, #tpu.memory_space<semaphore_mem>>) src(%arg7 : memref<128x128xf32, #tpu.memory_space<vmem>>) dst(%dma_wait3A_51 : memref<128x128xf32, #tpu.memory_space<hbm>>)
        tpu.yield
      }) : () -> ()
      %scan3A_41 = arith.constant 0 : i32
      scf.yield %scan3A_41 : i32
    }
    %scan3A_32 = arith.constant 5 : i32
    return
  }
}

module attributes {stable_mosaic.version = 14 : i64} {
  func.func @_tc_pre_body(%arg0: memref<10240x128xf32, #tpu.memory_space<vmem>>, %arg1: memref<128x128xf32, #tpu.memory_space<vmem>>, %arg2: memref<10240x1xf32, #tpu.memory_space<vmem>>, %arg3: memref<10240x128xf32, #tpu.memory_space<vmem>>) attributes {dimension_semantics = [], scalar_prefetch = 0 : i64, scratch_operands = 0 : i64, tpu.core_type = #tpu.core_type<tc>} {
    %get3A = arith.constant 0 : index
    %get3A_0 = arith.constant 0 : index
    %get3A_1 = vector.load %arg2[%get3A, %get3A_0] : memref<10240x1xf32, #tpu.memory_space<vmem>>, vector<10240x1xf32>
    %max3A = arith.constant 1.000000e+00 : f32
    %max3A_2 = vector.broadcast %max3A : f32 to vector<10240x1xf32>
    %max3A_3 = arith.maximumf %get3A_1, %max3A_2 : vector<10240x1xf32>
    %rsqrt3A = math.rsqrt %max3A_3 : vector<10240x1xf32>
    %get3A_4 = arith.constant 0 : index
    %get3A_5 = arith.constant 0 : index
    %get3A_6 = vector.load %arg0[%get3A_4, %get3A_5] : memref<10240x128xf32, #tpu.memory_space<vmem>>, vector<10240x128xf32>
    %get3A_7 = arith.constant 0 : index
    %get3A_8 = arith.constant 0 : index
    %get3A_9 = vector.load %arg1[%get3A_7, %get3A_8] : memref<128x128xf32, #tpu.memory_space<vmem>>, vector<128x128xf32>
    %dot_general3A = arith.constant dense<0.000000e+00> : vector<10240x128xf32>
    %dot_general3A_10 = tpu.matmul %get3A_6, %get3A_9, %dot_general3A {dimension_numbers = #tpu.dot_dimension_numbers<[1], [0], [0], [1], [0, 0, 1, 1], [], []>, transpose_lhs_hint = false} : vector<10240x128xf32>, vector<128x128xf32>, vector<10240x128xf32> -> vector<10240x128xf32>
    %mul3A = vector.broadcast %rsqrt3A : vector<10240x1xf32> to vector<10240x128xf32>
    %mul3A_11 = arith.mulf %dot_general3A_10, %mul3A : vector<10240x128xf32>
    %swap3A = arith.constant 0 : index
    %swap3A_12 = arith.constant 0 : index
    %swap3A_13 = vector.load %arg3[%swap3A, %swap3A_12] : memref<10240x128xf32, #tpu.memory_space<vmem>>, vector<10240x128xf32>
    tpu.vector_store %arg3[%swap3A, %swap3A_12], %mul3A_11 {strides = array<i32>} : memref<10240x128xf32, #tpu.memory_space<vmem>>, vector<10240x128xf32>,
    return
  }
}

module attributes {stable_mosaic.version = 14 : i64} {
  func.func @_tc_mid_body(%arg0: memref<2x10240x128xf32, #tpu.memory_space<vmem>>, %arg1: memref<10240x1xf32, #tpu.memory_space<vmem>>, %arg2: memref<128xf32, #tpu.memory_space<vmem>>, %arg3: memref<128x128xf32, #tpu.memory_space<vmem>>, %arg4: memref<10240x1xf32, #tpu.memory_space<vmem>>, %arg5: memref<10240x128xf32, #tpu.memory_space<vmem>>) attributes {dimension_semantics = [], scalar_prefetch = 0 : i64, scratch_operands = 0 : i64, tpu.core_type = #tpu.core_type<tc>} {
    %get3A = arith.constant 0 : index
    %get3A_0 = arith.constant 0 : index
    %get3A_1 = arith.constant 0 : index
    %get3A_2 = vector.load %arg0[%get3A, %get3A_0, %get3A_1] : memref<2x10240x128xf32, #tpu.memory_space<vmem>>, vector<1x10240x128xf32>
    %get3A_3 = vector.shape_cast %get3A_2 : vector<1x10240x128xf32> to vector<10240x128xf32>
    %get3A_4 = arith.constant 1 : index
    %get3A_5 = arith.constant 0 : index
    %get3A_6 = arith.constant 0 : index
    %get3A_7 = vector.load %arg0[%get3A_4, %get3A_5, %get3A_6] : memref<2x10240x128xf32, #tpu.memory_space<vmem>>, vector<1x10240x128xf32>
    %get3A_8 = vector.shape_cast %get3A_7 : vector<1x10240x128xf32> to vector<10240x128xf32>
    %add3A = arith.addf %get3A_3, %get3A_8 : vector<10240x128xf32>
    %get3A_9 = arith.constant 0 : index
    %get3A_10 = arith.constant 0 : index
    %get3A_11 = vector.load %arg1[%get3A_9, %get3A_10] : memref<10240x1xf32, #tpu.memory_space<vmem>>, vector<10240x1xf32>
    %max3A = arith.constant 1.000000e+00 : f32
    %max3A_12 = vector.broadcast %max3A : f32 to vector<10240x1xf32>
    %max3A_13 = arith.maximumf %get3A_11, %max3A_12 : vector<10240x1xf32>
    %rsqrt3A = math.rsqrt %max3A_13 : vector<10240x1xf32>
    %mul3A = vector.broadcast %rsqrt3A : vector<10240x1xf32> to vector<10240x128xf32>
    %mul3A_14 = arith.mulf %add3A, %mul3A : vector<10240x128xf32>
    %get3A_15 = arith.constant 0 : index
    %get3A_16 = vector.load %arg2[%get3A_15] : memref<128xf32, #tpu.memory_space<vmem>>, vector<128xf32>
    %broadcast_in_dim3A = vector.shape_cast %get3A_16 : vector<128xf32> to vector<1x128xf32>
    %add3A_17 = vector.broadcast %broadcast_in_dim3A : vector<1x128xf32> to vector<10240x128xf32>
    %add3A_18 = arith.addf %mul3A_14, %add3A_17 : vector<10240x128xf32>
    %max3A_19 = arith.constant 0.000000e+00 : f32
    %max3A_20 = vector.broadcast %max3A_19 : f32 to vector<10240x128xf32>
    %max3A_21 = arith.maximumf %add3A_18, %max3A_20 : vector<10240x128xf32>
    %get3A_22 = arith.constant 0 : index
    %get3A_23 = arith.constant 0 : index
    %get3A_24 = vector.load %arg4[%get3A_22, %get3A_23] : memref<10240x1xf32, #tpu.memory_space<vmem>>, vector<10240x1xf32>
    %max3A_25 = arith.constant 1.000000e+00 : f32
    %max3A_26 = vector.broadcast %max3A_25 : f32 to vector<10240x1xf32>
    %max3A_27 = arith.maximumf %get3A_24, %max3A_26 : vector<10240x1xf32>
    %rsqrt3A_28 = math.rsqrt %max3A_27 : vector<10240x1xf32>
    %get3A_29 = arith.constant 0 : index
    %get3A_30 = arith.constant 0 : index
    %get3A_31 = vector.load %arg3[%get3A_29, %get3A_30] : memref<128x128xf32, #tpu.memory_space<vmem>>, vector<128x128xf32>
    %dot_general3A = arith.constant dense<0.000000e+00> : vector<10240x128xf32>
    %dot_general3A_32 = tpu.matmul %max3A_21, %get3A_31, %dot_general3A {dimension_numbers = #tpu.dot_dimension_numbers<[1], [0], [0], [1], [0, 0, 1, 1], [], []>, transpose_lhs_hint = false} : vector<10240x128xf32>, vector<128x128xf32>, vector<10240x128xf32> -> vector<10240x128xf32>
    %mul3A_33 = vector.broadcast %rsqrt3A_28 : vector<10240x1xf32> to vector<10240x128xf32>
    %mul3A_34 = arith.mulf %dot_general3A_32, %mul3A_33 : vector<10240x128xf32>
    %swap3A = arith.constant 0 : index
    %swap3A_35 = arith.constant 0 : index
    %swap3A_36 = vector.load %arg5[%swap3A, %swap3A_35] : memref<10240x128xf32, #tpu.memory_space<vmem>>, vector<10240x128xf32>
    tpu.vector_store %arg5[%swap3A, %swap3A_35], %mul3A_34 {strides = array<i32>} : memref<10240x128xf32, #tpu.memory_space<vmem>>, vector<10240x128xf32>,
    return
  }
}

module attributes {stable_mosaic.version = 14 : i64} {
  func.func @_tc_final_body(%arg0: memref<2x10240x128xf32, #tpu.memory_space<vmem>>, %arg1: memref<10240x1xf32, #tpu.memory_space<vmem>>, %arg2: memref<128xf32, #tpu.memory_space<vmem>>, %arg3: memref<128x16xf32, #tpu.memory_space<vmem>>, %arg4: memref<16xf32, #tpu.memory_space<vmem>>, %arg5: memref<10240x16xf32, #tpu.memory_space<vmem>>) attributes {dimension_semantics = [], scalar_prefetch = 0 : i64, scratch_operands = 0 : i64, tpu.core_type = #tpu.core_type<tc>} {
    %get3A = arith.constant 0 : index
    %get3A_0 = arith.constant 0 : index
    %get3A_1 = arith.constant 0 : index
    %get3A_2 = vector.load %arg0[%get3A, %get3A_0, %get3A_1] : memref<2x10240x128xf32, #tpu.memory_space<vmem>>, vector<1x10240x128xf32>
    %get3A_3 = vector.shape_cast %get3A_2 : vector<1x10240x128xf32> to vector<10240x128xf32>
    %get3A_4 = arith.constant 1 : index
    %get3A_5 = arith.constant 0 : index
    %get3A_6 = arith.constant 0 : index
    %get3A_7 = vector.load %arg0[%get3A_4, %get3A_5, %get3A_6] : memref<2x10240x128xf32, #tpu.memory_space<vmem>>, vector<1x10240x128xf32>
    %get3A_8 = vector.shape_cast %get3A_7 : vector<1x10240x128xf32> to vector<10240x128xf32>
    %add3A = arith.addf %get3A_3, %get3A_8 : vector<10240x128xf32>
    %get3A_9 = arith.constant 0 : index
    %get3A_10 = arith.constant 0 : index
    %get3A_11 = vector.load %arg1[%get3A_9, %get3A_10] : memref<10240x1xf32, #tpu.memory_space<vmem>>, vector<10240x1xf32>
    %max3A = arith.constant 1.000000e+00 : f32
    %max3A_12 = vector.broadcast %max3A : f32 to vector<10240x1xf32>
    %max3A_13 = arith.maximumf %get3A_11, %max3A_12 : vector<10240x1xf32>
    %rsqrt3A = math.rsqrt %max3A_13 : vector<10240x1xf32>
    %mul3A = vector.broadcast %rsqrt3A : vector<10240x1xf32> to vector<10240x128xf32>
    %mul3A_14 = arith.mulf %add3A, %mul3A : vector<10240x128xf32>
    %get3A_15 = arith.constant 0 : index
    %get3A_16 = vector.load %arg2[%get3A_15] : memref<128xf32, #tpu.memory_space<vmem>>, vector<128xf32>
    %broadcast_in_dim3A = vector.shape_cast %get3A_16 : vector<128xf32> to vector<1x128xf32>
    %add3A_17 = vector.broadcast %broadcast_in_dim3A : vector<1x128xf32> to vector<10240x128xf32>
    %add3A_18 = arith.addf %mul3A_14, %add3A_17 : vector<10240x128xf32>
    %get3A_19 = arith.constant 0 : index
    %get3A_20 = arith.constant 0 : index
    %get3A_21 = vector.load %arg3[%get3A_19, %get3A_20] : memref<128x16xf32, #tpu.memory_space<vmem>>, vector<128x16xf32>
    %dot_general3A = arith.constant dense<0.000000e+00> : vector<10240x16xf32>
    %dot_general3A_22 = tpu.matmul %add3A_18, %get3A_21, %dot_general3A {dimension_numbers = #tpu.dot_dimension_numbers<[1], [0], [0], [1], [0, 0, 1, 1], [], []>, transpose_lhs_hint = false} : vector<10240x128xf32>, vector<128x16xf32>, vector<10240x16xf32> -> vector<10240x16xf32>
    %get3A_23 = arith.constant 0 : index
    %get3A_24 = vector.load %arg4[%get3A_23] : memref<16xf32, #tpu.memory_space<vmem>>, vector<16xf32>
    %broadcast_in_dim3A_25 = vector.shape_cast %get3A_24 : vector<16xf32> to vector<1x16xf32>
    %add3A_26 = vector.broadcast %broadcast_in_dim3A_25 : vector<1x16xf32> to vector<10240x16xf32>
    %add3A_27 = arith.addf %dot_general3A_22, %add3A_26 : vector<10240x16xf32>
    %reduce_max3A = arith.constant dense<0xFF800000> : vector<10240xf32>
    %reduce_max3A_28 = vector.multi_reduction <maximumf>, %add3A_27, %reduce_max3A [1] : vector<10240x16xf32> to vector<10240xf32>
    %broadcast_in_dim3A_29 = vector.shape_cast %reduce_max3A_28 : vector<10240xf32> to vector<10240x1xf32>
    %sub3A = vector.broadcast %broadcast_in_dim3A_29 : vector<10240x1xf32> to vector<10240x16xf32>
    %sub3A_30 = arith.subf %add3A_27, %sub3A : vector<10240x16xf32>
    %exp3A = math.exp %sub3A_30 : vector<10240x16xf32>
    %reduce_sum3A = arith.constant dense<0.000000e+00> : vector<10240xf32>
    %reduce_sum3A_31 = vector.multi_reduction <add>, %exp3A, %reduce_sum3A [1] : vector<10240x16xf32> to vector<10240xf32>
    %broadcast_in_dim3A_32 = vector.shape_cast %reduce_sum3A_31 : vector<10240xf32> to vector<10240x1xf32>
    %div3A = vector.broadcast %broadcast_in_dim3A_32 : vector<10240x1xf32> to vector<10240x16xf32>
    %div3A_33 = arith.divf %exp3A, %div3A : vector<10240x16xf32>
    %swap3A = arith.constant 0 : index
    %swap3A_34 = arith.constant 0 : index
    %swap3A_35 = vector.load %arg5[%swap3A, %swap3A_34] : memref<10240x16xf32, #tpu.memory_space<vmem>>, vector<10240x16xf32>
    tpu.vector_store %arg5[%swap3A, %swap3A_34], %div3A_33 {strides = array<i32>} : memref<10240x16xf32, #tpu.memory_space<vmem>>, vector<10240x16xf32>,
    return
  }
}

</mosaic_0001>

<sc_bundles>
// kernel: kernel.10.cloned.1.call-start
scs
__scs_entry_jumppad:
0x0: {  	(pc) =	sbr.rel $0x88, $3  }
0x1: {  	(tag) =	ssettag $0x0;
	lr =	simm.s32 $0x1  }
0x2: {  	[smem:$0x3F97] =	sst lr;
	_ =	strace $0xD0000000  }
0x3: {  	_ = 	snop  }
0x4: {  	_ = 	snop  }
0x5: {  	_ = 	snop  }
0x6: {  	_ = 	snop  }
0x7: {  	_ = 	snop  }
__scs_overlays_trampoline_lowered:
0x8: {  	[smem:$0x3FA6] =	sst s0  }
0x9: {  	[smem:$0x3FA7] =	sst s1  }
0xa: {  	[smem:$0x3FA8] =	sst s2  }
0xb: {  	[smem:$0x3FA9] =	sst s3  }
0xc: {  	[smem:$0x3FAA] =	sst s4  }
0xd: {  	[smem:$0x3FAB] =	sst s5  }
0xe: {  	[smem:$0x3FAC] =	sst s6  }
0xf: {  	[smem:$0x3FAD] =	sst s7  }
0x10: {  	[smem:$0x3FAE] =	sst s8  }
0x11: {  	[smem:$0x3FAF] =	sst s9;
	s0 =	simm.s32 @!p0 $0x0  }
0x12: {  	s1 =	sld [smem:$0x3F95];
	s0 =	simm.s32 @p0 $0x1  }
0x13: {  	[smem:$0x3FB0] =	sst s0;
	s0 =	simm.s32 @!p1 $0x0  }
0x14: {  	s2 =	sld [smem:$0x3F94];
	s0 =	simm.s32 @p1 $0x1  }
0x15: {  	[smem:$0x3FB1] =	sst s0;
	s0 =	simm.s32 @!p2 $0x0  }
0x16: {  	s3 =	sld [smem:$0x3FDB];
	s0 =	simm.s32 @p2 $0x1  }
0x17: {  	s4 =	simm.s32 $0x1BF5;
	[smem:$0x3FB3] =	sst s0  }
0x18: {  	s0 =	sld [smem:$0x3F96];
	_ =	swait.ge [sflag:s4], $0x0  }
0x19: {  	s7 =	sld [smem:$0x3F97]  }
0x1a: {  	s8 =	sadd.s32 $0xFFFFE003, lr  }
0x1b: {  	s9 =	sadd.s32 $0xFFFFFEF7, lr;
	s5 =	simm.s32 $0xFFFFFFFF;
	p2 =	slt.u32 s8, $0xFFFFF086  }
0x1c: {  	p1 =	slt.u32 s9, $0xF7A;
	s5 =	simm.s32 @!p2 $0x0  }
0x1d: {  	s5 =	simm.s32 @p1 $0x1;
	p0 =	seq.s32 s7, s2  }
0x1e: {  	s7 =	smul.u32 @!p0 $0xF7A, s2;
	p2 =	seq.s32 @!p0 s5, $0x0  }
0x1f: {  	s9 =	smul.u32 $0xF7A, s1;
	s8 =	simm.s32 @!p0 $0x1BF5;
	p2 =	por !p2, p0  }
0x20: {  	[sflag:s8] =	ssyncset.s32 @!p0 $0xFFFFF086;
	s6 =	sadd.s32 @!p0 s3, s7;
	s7 =	simm.s32 @!p0 $0x108  }
0x21: {  	s3 =	sadd.s32 s3, s9;
	s6 =	sadd.s32 @!p0 $0x88, s6;
	s7 =	simm.s32 @p2 $0x1082  }
0x22: {  	[simem:s7], [sflag:s8] =	dma.local @!p0 [hbm:s6], $0xF7A  }
0x23: {  	s9 =	sor.u32 $0xD0000000, s2;
	s6 =	simm.s32 $0x108;
	_ =	swait.ge @!p0 [sflag:s8], $0x0  }
0x24: {  	s3 =	sadd.s32 $0x88, s3;
	s6 =	simm.s32 @!p1 $0x1082;
	[sflag:s4] =	ssyncset.s32 $0xFFFFF086  }
0x25: {  	[simem:s6], [sflag:s4] =	dma.local [hbm:s3], $0xF7A  }
0x26: {  	[smem:$0x3F97] =	sst s1;
	(tag) =	ssettag s2;
	_ =	strace s9  }
0x27: {  	s1 =	sld [smem:$0x3FA7]  }
0x28: {  	s2 =	sld [smem:$0x3FA8]  }
0x29: {  	s4 =	sld [smem:$0x3FAA]  }
0x2a: {  	p0 =	seq.s32 s5, $0x0;
	s5 =	sld [smem:$0x3FAB]  }
0x2b: {  	s6 =	sld [smem:$0x3FAC]  }
0x2c: {  	s7 =	sld [smem:$0x3FAD]  }
0x2d: {  	s3 =	simm.s32 $0x108;
	s8 =	sld [smem:$0x3FAE]  }
0x2e: {  	s3 =	simm.s32 @!p0 $0x1082;
	s9 =	sld [smem:$0x3FAF]  }
0x2f: {  	lr =	sadd.s32 s0, s3;
	s0 =	sld [smem:$0x3FA6]  }
0x30: {  	s3 =	sld [smem:$0x3FA9]  }
0x31: {  	[smem:$0x3FB2] =	sst s10  }
0x32: {  	s10 =	sld [smem:$0x3FB0];
	_ =	sdelay $0x3  }
0x33: {  	p0 =	seq.s32 s10, $0x1;
	s10 =	sld [smem:$0x3FB2];
	_ =	sdelay $0x3  }
0x34: {  	[smem:$0x3FB2] =	sst s10  }
0x35: {  	s10 =	sld [smem:$0x3FB1];
	_ =	sdelay $0x3  }
0x36: {  	p1 =	seq.s32 s10, $0x1;
	s10 =	sld [smem:$0x3FB2];
	_ =	sdelay $0x3  }
0x37: {  	[smem:$0x3FB2] =	sst s10  }
0x38: {  	s10 =	sld [smem:$0x3FB3]  }
0x39: {  	_ = 	snop;
	(pc) =	sbr.ind lr, $3  }
0x3a: {  	_ = 	snop  }
0x3b: {  	_ = 	snop  }
0x3c: {  	p2 =	seq.s32 s10, $0x1;
	s10 =	sld [smem:$0x3FB2]  }
0x3d: {  	_ =	shalt  }
0x3e: {  	_ =	shalt  }
0x3f: {  	_ =	shalt  }
0x40: {  	_ =	shalt  }
0x41: {  	_ =	shalt  }
0x42: {  	_ =	shalt  }
0x43: {  	_ =	shalt  }
0x44: {  	_ =	shalt  }
0x45: {  	_ =	shalt  }
0x46: {  	_ =	shalt  }
0x47: {  	_ =	shalt  }
0x48: {  	_ =	shalt  }
0x49: {  	_ =	shalt  }
0x4a: {  	_ =	shalt  }
0x4b: {  	_ =	shalt  }
0x4c: {  	_ =	shalt  }
0x4d: {  	_ =	shalt  }
0x4e: {  	_ =	shalt  }
0x4f: {  	_ =	shalt  }
0x50: {  	_ =	shalt  }
0x51: {  	_ =	shalt  }
0x52: {  	_ =	shalt  }
0x53: {  	_ =	shalt  }
0x54: {  	_ =	shalt  }
0x55: {  	_ =	shalt  }
0x56: {  	_ =	shalt  }
0x57: {  	_ =	shalt  }
0x58: {  	_ =	shalt  }
0x59: {  	_ =	shalt  }
0x5a: {  	_ =	shalt  }
0x5b: {  	_ =	shalt  }
0x5c: {  	_ =	shalt  }
0x5d: {  	_ =	shalt  }
0x5e: {  	_ =	shalt  }
0x5f: {  	_ =	shalt  }
0x60: {  	_ =	shalt  }
0x61: {  	_ =	shalt  }
0x62: {  	_ =	shalt  }
0x63: {  	_ =	shalt  }
0x64: {  	_ =	shalt  }
0x65: {  	_ =	shalt  }
0x66: {  	_ =	shalt  }
0x67: {  	_ =	shalt  }
0x68: {  	_ =	shalt  }
0x69: {  	_ =	shalt  }
0x6a: {  	_ =	shalt  }
0x6b: {  	_ =	shalt  }
0x6c: {  	_ =	shalt  }
0x6d: {  	_ =	shalt  }
0x6e: {  	_ =	shalt  }
0x6f: {  	_ =	shalt  }
0x70: {  	_ =	shalt  }
0x71: {  	_ =	shalt  }
0x72: {  	_ =	shalt  }
0x73: {  	_ =	shalt  }
0x74: {  	_ =	shalt  }
0x75: {  	_ =	shalt  }
0x76: {  	_ =	shalt  }
0x77: {  	_ =	shalt  }
0x78: {  	_ =	shalt  }
0x79: {  	_ =	shalt  }
0x7a: {  	_ =	shalt  }
0x7b: {  	_ =	shalt  }
0x7c: {  	_ =	shalt  }
0x7d: {  	_ =	shalt  }
0x7e: {  	_ =	shalt  }
0x7f: {  	_ =	shalt  }
0x80: {  	_ =	shalt  }
0x81: {  	_ =	shalt  }
0x82: {  	_ =	shalt  }
0x83: {  	_ =	shalt  }
0x84: {  	_ =	shalt  }
0x85: {  	_ =	shalt  }
0x86: {  	_ =	shalt  }
0x87: {  	_ =	shalt  }
.Lfunc_end0:
.L_simem_size_0:
called_computation_lowered:
.L_overlay_start_0:
0x88: {  	s2 =	sld [smem:$0x3FD9]  }
0x89: {  	s3 =	sld [smem:$0x3FFE];
	_ =	sdelay $0x1  }
0x8a: {  	s1 =	srdreg.scid  }
0x8b: {  	s0 =	sand.u32 $0x1, s1  }
0x8c: {  	s17 =	sshll.u32 s0, $0xA;
	s2 =	sadd.s32 s3, s2  }
0x8d: {  	s2 =	sadd.s32 s2, s17  }
0x8e: {  	[smem:$0x3FBE] =	sst s2  }
0x8f: {  	_ = 	snop  }
0x90: {  	s2 =	sld [smem:$0x3FD0];
	(tm) =	ssettm $0x1  }
0x91: {  	s18 =	sld [smem:$0x3FFB];
	_ =	sdelay $0x3  }
0x92: {  	_ =	strace s18  }
0x93: {  	s3 =	sld [smem:$0x3FFC];
	_ =	sdelay $0x3  }
0x94: {  	_ =	strace s3  }
0x95: {  	s3 =	sld [smem:$0x3FFD];
	_ =	sdelay $0x3  }
0x96: {  	_ =	strace s3  }
0x97: {  	_ =	strace $0x8FFFFFFF  }
0x98: {  	s19 =	sld [smem:$0x3FDB];
	_ =	sdelay $0x1  }
0x99: {  	s4 =	simm.s32 $_scs_section_size  }
0x9a: {  	s5 =	simm.s32 $_size__tile_overlayer_lowered;
	s6 =	simm.s32 $_tile_overlayer_lowered  }
0x9b: {  	s22 =	simm.s32 $0x1BFF;
	s21 =	sshll.u32 s6, $0x1;
	s3 =	sadd.s32 s4, s19  }
0x9c: {  	s7 =	simm.s32 $0x0;
	s20 =	sshll.u32 s5, $0x1;
	s5 =	sadd.s32 s21, s3  }
0x9d: {  	[timem:s7], [sflag:s22] =	dma.local [hbm:s5], s20  }
0x9e: {  	_ =	swait.ge [sflag:s22], s20  }
0x9f: {  	s4 =	ssub.s32 $0x0, s20;
	[sflag:s22] =	ssyncset.done $0x0  }
0xa0: {  	[sflag:s22] =	ssyncadd.s32 s4;
	_ =	sdelay $0x1  }
0xa1: {  	s23 =	simm.s32 $0x1B8B  }
0xa2: {  	_ =	swait.ge [sflag:s23], $0x1  }
0xa3: {  	[sflag:s23] =	ssyncset.done $0x0  }
0xa4: {  	s25 =	simm.s32 $0x1B8E;
	s24 =	sld [smem:$0x3FFE];
	[sflag:s23] =	ssyncadd.s32 $0xFFFFFFFF  }
0xa5: {  	s26 =	simm.s32 $execute0_lowered;
	[smem:$0x3FD2] =	sst s25  }
0xa6: {  	s5 =	sshll.u32 s26, $0x1;
	_ =	strace $0x80000046;
	[dreg:$0x1] =	wrdreg $0xFFFFFFFF  }
0xa7: {  	s28 =	simm.s32 $_size_execute0_lowered;
	s3 =	sadd.s32 s3, s5;
	[dreg:$0x0] =	wrdreg $0x0  }
0xa8: {  	s5 =	sshll.u32 s28, $0x1;
	[dreg:$0x2] =	wrdreg s3  }
0xa9: {  	[dreg:$0x3] =	wrdreg s5  }
0xaa: {  	[dreg:$0x4] =	wrdreg $0xC0  }
0xab: {  	_ =	task [dreg:s7], $0x5FFFF  }
0xac: {  	[dreg:$0x1] =	wrdreg $0xFFFFFFFF  }
0xad: {  	[dreg:$0x0] =	wrdreg $0x60  }
0xae: {  	[dreg:$0x2] =	wrdreg s24  }
0xaf: {  	[dreg:$0x3] =	wrdreg s2  }
0xb0: {  	[dreg:$0x4] =	wrdreg $0x0  }
0xb1: {  	[dreg:$0x5] =	wrdreg $0x9  }
0xb2: {  	_ =	task.clear_ibuf [dreg:s7], $0x6FFFF;
	_ =	strace $0x90000046  }
0xb3: {  	s29 =	simm.s32 $0x9;
	_ =	strace $0x80000048  }
0xb4: {  	_ =	swait.ge [sflag:s29], $0x1  }
0xb5: {  	[sflag:s29] =	ssyncadd.s32 $0xFFFFFFFF  }
0xb6: {  	_ =	strace $0x90000048  }
0xb7: {  	_ =	sfence  }
0xb8: {  	s30 =	sld [smem:$0x0];
	_ =	sdelay $0x2  }
0xb9: {  	s31 =	sshll.u32 s1, $0xD;
	s1 =	sshrl.u32 s1, $0x2  }
0xba: {  	s3 =	sand.u32 $0x4000, s31;
	s1 =	sadd.s32 s1, s30  }
0xbb: {  	s0 =	sor.u32 s3, s0;
	s1 =	sshll.u32 s1, $0x11  }
0xbc: {  	s0 =	sor.u32 s1, s0  }
0xbd: {  	s0 =	sadd.s32 $0x8F2B, s0  }
0xbe: {  	[sflag:s0] =	ssyncadd.remote.s32 $0x1  }
0xbf: {  	_ =	sfence.sel $0xFFFF  }
0xc0: {  	[dreg:$0x0] =	wrdreg $0xFFFFFFFF;
	(pc) =	sbr.abs _section_cstart, $3  }
0xc1: {  	[dreg:$0x1] =	wrdreg $0xFFFFFFFF  }
0xc2: {  	_ =	task.clear_ibuf [dreg:s7], $0x2FFFF;
	_ =	strace $0x9FFFFFFF  }
0xc3: {  	(tm) =	ssettm $0x7FFFFFFF  }
tec
execute0_lowered:
.L_overlay_start_1:
0x0: {  	(tag) =	ssettag $0x1  }
0x1: {  	s4 =	rddreg [dreg:$0x0]  }
0x2: {  	s5 =	rddreg [dreg:$0x1]  }
0x3: {  	s2 =	rddreg [dreg:$0x2]  }
0x4: {  	s0 =	srdreg.scid;
	s1 =	rddreg [dreg:$0x3];
	s3 =	simm.s32 $0x0  }
0x5: {  	s11 =	simm.s32 $0x50;
	s12 =	simm.s32 $0x580;
	s6 =	sand.u32 $0x1, s0  }
0x6: {  	s13 =	simm.s32 $0x80;
	s0 =	stileid.u32;
	s7 =	smul.u32 $0x4E200, s6  }
0x7: {  	s14 =	simm.s32 $0x100;
	[smem:$0x7FF] =	sst s3;
	s8 =	smul.u32 $0x4E20, s0  }
0x8: {  	s15 =	simm.s32 $0x0;
	_ =	strace $0x80000047;
	s28 =	smul.u32 $0x500, s0  }
0x9: {  	s9 =	ssub.s32 $0x2, s6;
	s10 =	smul.u32 $0xA00, s0;
	s6 =	sshll.u32 s6, $0x7  }
0xa: {  	s29 =	sshrl.u32 s9, $0x1;
	s7 =	sadd.s32 s8, s7;
	s6 =	sor.u32 s6, s28  }
0xb: {  	s30 =	ssub.s32 s9, s29;
	s31 =	sshrl.u32 s10, $0x2;
	s8 =	simm.s32 $0x280  }
0xc: {  	s9 =	simm.s32 $0x1;
	s10 =	simm.s32 $0x500;
	s7 =	sshrl.u32 s7, $0x3  }
0xd: {  	s6 =	sshrl.u32 s6, $0x3;
	s7 =	sadd.s32 s7, s4;
	s4 =	sadd.s32 s31, s2  }
0xe: {  	v0 =	vimm.f32 $0.0e+00;
	v1 =	vimm.f32 $1.000000000e+00;
	s5 =	sadd.s32 s5, s6;
	s6 =	smax.u32 s30, $0x1;
	s7 =	sadd.s32 $0x2C00, s7  }
.LBB2_1:
0xf: {  	[tilespmem:$0x280] =	vst v0  }
0x10: {  	[tilespmem:$0x290] =	vst v0  }
0x11: {  	[tilespmem:$0x2A0] =	vst v0  }
0x12: {  	[tilespmem:$0x2B0] =	vst v0  }
0x13: {  	[tilespmem:$0x2C0] =	vst v0  }
0x14: {  	[tilespmem:$0x2D0] =	vst v0  }
0x15: {  	[tilespmem:$0x2E0] =	vst v0  }
0x16: {  	[tilespmem:$0x2F0] =	vst v0  }
0x17: {  	[tilespmem:$0x300] =	vst v0  }
0x18: {  	[tilespmem:$0x310] =	vst v0  }
0x19: {  	[tilespmem:$0x320] =	vst v0  }
0x1a: {  	[tilespmem:$0x330] =	vst v0  }
0x1b: {  	[tilespmem:$0x340] =	vst v0  }
0x1c: {  	[tilespmem:$0x350] =	vst v0  }
0x1d: {  	[tilespmem:$0x360] =	vst v0  }
0x1e: {  	[tilespmem:$0x370] =	vst v0  }
0x1f: {  	[tilespmem:$0x380] =	vst v0  }
0x20: {  	[tilespmem:$0x390] =	vst v0  }
0x21: {  	[tilespmem:$0x3A0] =	vst v0  }
0x22: {  	[tilespmem:$0x3B0] =	vst v0  }
0x23: {  	[tilespmem:$0x3C0] =	vst v0  }
0x24: {  	[tilespmem:$0x3D0] =	vst v0  }
0x25: {  	[tilespmem:$0x3E0] =	vst v0  }
0x26: {  	[tilespmem:$0x3F0] =	vst v0  }
0x27: {  	[tilespmem:$0x400] =	vst v0  }
0x28: {  	[tilespmem:$0x410] =	vst v0  }
0x29: {  	[tilespmem:$0x420] =	vst v0  }
0x2a: {  	[tilespmem:$0x430] =	vst v0  }
0x2b: {  	[tilespmem:$0x440] =	vst v0  }
0x2c: {  	[tilespmem:$0x450] =	vst v0  }
0x2d: {  	[tilespmem:$0x460] =	vst v0  }
0x2e: {  	[tilespmem:$0x470] =	vst v0  }
0x2f: {  	[tilespmem:$0x480] =	vst v0  }
0x30: {  	[tilespmem:$0x490] =	vst v0  }
0x31: {  	[tilespmem:$0x4A0] =	vst v0  }
0x32: {  	[tilespmem:$0x4B0] =	vst v0  }
0x33: {  	[tilespmem:$0x4C0] =	vst v0  }
0x34: {  	[tilespmem:$0x4D0] =	vst v0  }
0x35: {  	[tilespmem:$0x4E0] =	vst v0  }
0x36: {  	[tilespmem:$0x4F0] =	vst v0  }
0x37: {  	[tilespmem:$0x580] =	vst v1  }
0x38: {  	[tilespmem:$0x590] =	vst v1  }
0x39: {  	[tilespmem:$0x5A0] =	vst v1  }
0x3a: {  	[tilespmem:$0x5B0] =	vst v1  }
0x3b: {  	[tilespmem:$0x5C0] =	vst v1  }
0x3c: {  	[spmem:s4] =	stream.linear.scatter [tilespmem:s8], [sflag:$0x1], $0x280, $0x38;
	[tilespmem:$0x600] =	vst v63  }
0x3d: {  	_ =	swait.ge [sflag:s9], $0x280  }
0x3e: {  	[sflag:s9] =	ssyncset.done $0x0  }
0x3f: {  	[sflag:s9] =	ssyncadd.s32 $0xFFFFFD80  }
0x40: {  	s16 =	sadd.s32 $0x0, s7;
	[bflag:$0x0] =	sbarrier.arrive $0xFFFF  }
0x41: {  	[tilespmem:s10], [sflag:$0x1] =	stream.linear.gather [hbm4b:s16+s3], $0x50, $0x38;
	[tilespmem:$0x600] =	vst v63  }
0x42: {  	_ =	swait.ge [sflag:s9], $0x50  }
0x43: {  	[sflag:s9] =	ssyncset.done $0x0  }
0x44: {  	[sflag:s9] =	ssyncadd.s32 $0xFFFFFFB0  }
0x45: {  	[spmem:s2] =	stream.indirect.scatter.add.f32 [tilespmem:s12], [sflag:$0x1], $0x1, s10, s11, $0xb8;
	[tilespmem:$0x600] =	vst v63  }
0x46: {  	_ =	swait.ge [sflag:s9], $0x50  }
0x47: {  	s17 =	simm.s32 $0x14;
	s16 =	simm.s32 $0xA;
	[sflag:s9] =	ssyncset.done $0x0  }
.LBB2_2:
0x48: {  	s18 =	sadd.s32 s16, s7  }
0x49: {  	[sflag:s9] =	ssyncadd.s32 $0xFFFFFFB0;
	s16 =	smov.u32 s17;
	s19 =	sadd.s32 $0xA, s17  }
0x4a: {  	[tilespmem:s10], [sflag:$0x1] =	stream.linear.gather [hbm4b:s18+s3], $0x50, $0x38;
	[tilespmem:$0x600] =	vst v63  }
0x4b: {  	p0 =	sne.s32 s17, $0x9BA;
	_ =	swait.ge [sflag:s9], $0x50  }
.Ltmp0:
0x4c: {  	[sflag:s9] =	ssyncset.done $0x0;
	(pc) =	sbr.rel @p0 .LBB2_2-.Ltmp0, $4  }
0x4d: {  	[sflag:s9] =	ssyncadd.s32 $0xFFFFFFB0  }
0x4e: {  	[spmem:s2] =	stream.indirect.scatter.add.f32 [tilespmem:s12], [sflag:$0x1], $0x1, s10, s11, $0xb8;
	[tilespmem:$0x600] =	vst v63  }
0x4f: {  	_ =	swait.ge [sflag:s9], $0x50  }
0x50: {  	s17 =	smov.u32 s19;
	[sflag:s9] =	ssyncset.done $0x0  }
0x51: {  	s16 =	sadd.s32 s16, s7;
	[sflag:s9] =	ssyncadd.s32 $0xFFFFFFB0  }
0x52: {  	[tilespmem:s10], [sflag:$0x1] =	stream.linear.gather [hbm4b:s16+s3], $0x50, $0x38;
	[tilespmem:$0x600] =	vst v63  }
0x53: {  	_ =	swait.ge [sflag:s9], $0x50  }
0x54: {  	[sflag:s9] =	ssyncset.done $0x0  }
0x55: {  	[sflag:s9] =	ssyncadd.s32 $0xFFFFFFB0  }
0x56: {  	[spmem:s2] =	stream.indirect.scatter.add.f32 [tilespmem:s12], [sflag:$0x1], $0x1, s10, s11, $0xb8;
	[tilespmem:$0x600] =	vst v63  }
0x57: {  	_ =	swait.ge [sflag:s9], $0x50  }
0x58: {  	[sflag:s9] =	ssyncset.done $0x0  }
0x59: {  	[sflag:s9] =	ssyncadd.s32 $0xFFFFFFB0  }
0x5a: {  	[bflag:$0x0] =	sbarrier.arrive $0xFFFF  }
0x5b: {  	[tilespmem:s8], [sflag:$0x1] =	stream.linear.gather [spmem:s4], $0x280, $0x38;
	[tilespmem:$0x600] =	vst v63  }
0x5c: {  	s15 =	sadd.s32 $0x1, s15;
	_ =	swait.ge [sflag:s9], $0x280  }
0x5d: {  	p0 =	sne.s32 s15, s6;
	[sflag:s9] =	ssyncset.done $0x0  }
.Ltmp1:
0x5e: {  	[sflag:s9] =	ssyncadd.s32 $0xFFFFFD80;
	(pc) =	sbr.rel @p0 .LBB2_1-.Ltmp1, $4  }
0x5f: {  	[hbm4b:s5+s13] =	stream.strided.scatter [tilespmem:s8], [sflag:$0x1], $0x280, s14, s13, $0x38;
	[tilespmem:$0x600] =	vst v63  }
0x60: {  	_ =	swait.ge [sflag:s9], $0x280  }
0x61: {  	[sflag:s9] =	ssyncset.done $0x0  }
0x62: {  	[sflag:s9] =	ssyncadd.s32 $0xFFFFFD80  }
0x63: {  	_ =	sfence.sel $0x180000  }
0x64: {  	[bflag:$0x0] =	sbarrier.arrive $0xFFFF  }
0x65: {  	p0 =	sne.s32 s0, $0x0;
	_ =	strace $0x90000047  }
0x66: {  	s0 =	sadd.s32 @!p0 $0x100000, s1;
	[bflag:$0x2] =	sbarrier.arrive $0xFFFF  }
0x67: {  	[sflag:s0] =	ssyncadd.tile.s32 @!p0 $0x1;
	_ =	shalt  }
.Lfunc_end2:
_tile_overlayer_lowered:
.L_overlay_start_2:
0x68: {  	(tag) =	ssettag $0x2  }
0x69: {  	s0 =	rddreg [dreg:$0x0];
	s2 =	stileid.u32  }
0x6a: {  	s1 =	rddreg [dreg:$0x1];
	p0 =	sne.s32 s2, $0x0  }
0x6b: {  	s3 =	rddreg [dreg:$0x2];
	[bflag:$0x3] =	sbarrier.arrive $0xFFFF;
	s2 =	simm.s32 @!p0 $0x1C01  }
0x6c: {  	[timem:s3], [sflag:s2] =	dma.local @!p0 [hbm:s0], s1  }
0x6d: {  	s0 =	simm.s32 @!p0 $0x1  }
0x6e: {  	_ =	swait.ge @!p0 [sflag:s0], s1  }
0x6f: {  	s1 =	ssub.s32 @!p0 $0x0, s1;
	[sflag:s0] =	ssyncset.done @!p0 $0x0  }
0x70: {  	[sflag:s0] =	ssyncadd.s32 @!p0 s1  }
0x71: {  	[bflag:$0x3] =	sbarrier.arrive $0xFFFF  }
0x72: {  	_ =	shalt  }

// kernel: kernel.13.cloned.1.call-start
scs
__scs_entry_jumppad:
0x0: {  	(pc) =	sbr.rel $0x88, $3  }
0x1: {  	(tag) =	ssettag $0x0;
	lr =	simm.s32 $0x1  }
0x2: {  	[smem:$0x3F97] =	sst lr;
	_ =	strace $0xD0000000  }
0x3: {  	_ = 	snop  }
0x4: {  	_ = 	snop  }
0x5: {  	_ = 	snop  }
0x6: {  	_ = 	snop  }
0x7: {  	_ = 	snop  }
__scs_overlays_trampoline_lowered:
0x8: {  	[smem:$0x3FA6] =	sst s0  }
0x9: {  	[smem:$0x3FA7] =	sst s1  }
0xa: {  	[smem:$0x3FA8] =	sst s2  }
0xb: {  	[smem:$0x3FA9] =	sst s3  }
0xc: {  	[smem:$0x3FAA] =	sst s4  }
0xd: {  	[smem:$0x3FAB] =	sst s5  }
0xe: {  	[smem:$0x3FAC] =	sst s6  }
0xf: {  	[smem:$0x3FAD] =	sst s7  }
0x10: {  	[smem:$0x3FAE] =	sst s8  }
0x11: {  	[smem:$0x3FAF] =	sst s9;
	s0 =	simm.s32 @!p0 $0x0  }
0x12: {  	s1 =	sld [smem:$0x3F95];
	s0 =	simm.s32 @p0 $0x1  }
0x13: {  	[smem:$0x3FB0] =	sst s0;
	s0 =	simm.s32 @!p1 $0x0  }
0x14: {  	s2 =	sld [smem:$0x3F94];
	s0 =	simm.s32 @p1 $0x1  }
0x15: {  	[smem:$0x3FB1] =	sst s0;
	s0 =	simm.s32 @!p2 $0x0  }
0x16: {  	s3 =	sld [smem:$0x3FDB];
	s0 =	simm.s32 @p2 $0x1  }
0x17: {  	s4 =	simm.s32 $0x1BF5;
	[smem:$0x3FB3] =	sst s0  }
0x18: {  	s0 =	sld [smem:$0x3F96];
	_ =	swait.ge [sflag:s4], $0x0  }
0x19: {  	s7 =	sld [smem:$0x3F97]  }
0x1a: {  	s8 =	sadd.s32 $0xFFFFE003, lr  }
0x1b: {  	s9 =	sadd.s32 $0xFFFFFEF7, lr;
	s5 =	simm.s32 $0xFFFFFFFF;
	p2 =	slt.u32 s8, $0xFFFFF086  }
0x1c: {  	p1 =	slt.u32 s9, $0xF7A;
	s5 =	simm.s32 @!p2 $0x0  }
0x1d: {  	s5 =	simm.s32 @p1 $0x1;
	p0 =	seq.s32 s7, s2  }
0x1e: {  	s7 =	smul.u32 @!p0 $0xF7A, s2;
	p2 =	seq.s32 @!p0 s5, $0x0  }
0x1f: {  	s9 =	smul.u32 $0xF7A, s1;
	s8 =	simm.s32 @!p0 $0x1BF5;
	p2 =	por !p2, p0  }
0x20: {  	[sflag:s8] =	ssyncset.s32 @!p0 $0xFFFFF086;
	s6 =	sadd.s32 @!p0 s3, s7;
	s7 =	simm.s32 @!p0 $0x108  }
0x21: {  	s3 =	sadd.s32 s3, s9;
	s6 =	sadd.s32 @!p0 $0x88, s6;
	s7 =	simm.s32 @p2 $0x1082  }
0x22: {  	[simem:s7], [sflag:s8] =	dma.local @!p0 [hbm:s6], $0xF7A  }
0x23: {  	s9 =	sor.u32 $0xD0000000, s2;
	s6 =	simm.s32 $0x108;
	_ =	swait.ge @!p0 [sflag:s8], $0x0  }
0x24: {  	s3 =	sadd.s32 $0x88, s3;
	s6 =	simm.s32 @!p1 $0x1082;
	[sflag:s4] =	ssyncset.s32 $0xFFFFF086  }
0x25: {  	[simem:s6], [sflag:s4] =	dma.local [hbm:s3], $0xF7A  }
0x26: {  	[smem:$0x3F97] =	sst s1;
	(tag) =	ssettag s2;
	_ =	strace s9  }
0x27: {  	s1 =	sld [smem:$0x3FA7]  }
0x28: {  	s2 =	sld [smem:$0x3FA8]  }
0x29: {  	s4 =	sld [smem:$0x3FAA]  }
0x2a: {  	p0 =	seq.s32 s5, $0x0;
	s5 =	sld [smem:$0x3FAB]  }
0x2b: {  	s6 =	sld [smem:$0x3FAC]  }
0x2c: {  	s7 =	sld [smem:$0x3FAD]  }
0x2d: {  	s3 =	simm.s32 $0x108;
	s8 =	sld [smem:$0x3FAE]  }
0x2e: {  	s3 =	simm.s32 @!p0 $0x1082;
	s9 =	sld [smem:$0x3FAF]  }
0x2f: {  	lr =	sadd.s32 s0, s3;
	s0 =	sld [smem:$0x3FA6]  }
0x30: {  	s3 =	sld [smem:$0x3FA9]  }
0x31: {  	[smem:$0x3FB2] =	sst s10  }
0x32: {  	s10 =	sld [smem:$0x3FB0];
	_ =	sdelay $0x3  }
0x33: {  	p0 =	seq.s32 s10, $0x1;
	s10 =	sld [smem:$0x3FB2];
	_ =	sdelay $0x3  }
0x34: {  	[smem:$0x3FB2] =	sst s10  }
0x35: {  	s10 =	sld [smem:$0x3FB1];
	_ =	sdelay $0x3  }
0x36: {  	p1 =	seq.s32 s10, $0x1;
	s10 =	sld [smem:$0x3FB2];
	_ =	sdelay $0x3  }
0x37: {  	[smem:$0x3FB2] =	sst s10  }
0x38: {  	s10 =	sld [smem:$0x3FB3]  }
0x39: {  	_ = 	snop;
	(pc) =	sbr.ind lr, $3  }
0x3a: {  	_ = 	snop  }
0x3b: {  	_ = 	snop  }
0x3c: {  	p2 =	seq.s32 s10, $0x1;
	s10 =	sld [smem:$0x3FB2]  }
0x3d: {  	_ =	shalt  }
0x3e: {  	_ =	shalt  }
0x3f: {  	_ =	shalt  }
0x40: {  	_ =	shalt  }
0x41: {  	_ =	shalt  }
0x42: {  	_ =	shalt  }
0x43: {  	_ =	shalt  }
0x44: {  	_ =	shalt  }
0x45: {  	_ =	shalt  }
0x46: {  	_ =	shalt  }
0x47: {  	_ =	shalt  }
0x48: {  	_ =	shalt  }
0x49: {  	_ =	shalt  }
0x4a: {  	_ =	shalt  }
0x4b: {  	_ =	shalt  }
0x4c: {  	_ =	shalt  }
0x4d: {  	_ =	shalt  }
0x4e: {  	_ =	shalt  }
0x4f: {  	_ =	shalt  }
0x50: {  	_ =	shalt  }
0x51: {  	_ =	shalt  }
0x52: {  	_ =	shalt  }
0x53: {  	_ =	shalt  }
0x54: {  	_ =	shalt  }
0x55: {  	_ =	shalt  }
0x56: {  	_ =	shalt  }
0x57: {  	_ =	shalt  }
0x58: {  	_ =	shalt  }
0x59: {  	_ =	shalt  }
0x5a: {  	_ =	shalt  }
0x5b: {  	_ =	shalt  }
0x5c: {  	_ =	shalt  }
0x5d: {  	_ =	shalt  }
0x5e: {  	_ =	shalt  }
0x5f: {  	_ =	shalt  }
0x60: {  	_ =	shalt  }
0x61: {  	_ =	shalt  }
0x62: {  	_ =	shalt  }
0x63: {  	_ =	shalt  }
0x64: {  	_ =	shalt  }
0x65: {  	_ =	shalt  }
0x66: {  	_ =	shalt  }
0x67: {  	_ =	shalt  }
0x68: {  	_ =	shalt  }
0x69: {  	_ =	shalt  }
0x6a: {  	_ =	shalt  }
0x6b: {  	_ =	shalt  }
0x6c: {  	_ =	shalt  }
0x6d: {  	_ =	shalt  }
0x6e: {  	_ =	shalt  }
0x6f: {  	_ =	shalt  }
0x70: {  	_ =	shalt  }
0x71: {  	_ =	shalt  }
0x72: {  	_ =	shalt  }
0x73: {  	_ =	shalt  }
0x74: {  	_ =	shalt  }
0x75: {  	_ =	shalt  }
0x76: {  	_ =	shalt  }
0x77: {  	_ =	shalt  }
0x78: {  	_ =	shalt  }
0x79: {  	_ =	shalt  }
0x7a: {  	_ =	shalt  }
0x7b: {  	_ =	shalt  }
0x7c: {  	_ =	shalt  }
0x7d: {  	_ =	shalt  }
0x7e: {  	_ =	shalt  }
0x7f: {  	_ =	shalt  }
0x80: {  	_ =	shalt  }
0x81: {  	_ =	shalt  }
0x82: {  	_ =	shalt  }
0x83: {  	_ =	shalt  }
0x84: {  	_ =	shalt  }
0x85: {  	_ =	shalt  }
0x86: {  	_ =	shalt  }
0x87: {  	_ =	shalt  }
.Lfunc_end0:
.L_simem_size_0:
called_computation.1_lowered:
.L_overlay_start_0:
0x88: {  	s2 =	sld [smem:$0x3FD9]  }
0x89: {  	s3 =	sld [smem:$0x3FFE];
	_ =	sdelay $0x1  }
0x8a: {  	s1 =	srdreg.scid  }
0x8b: {  	s0 =	sand.u32 $0x1, s1  }
0x8c: {  	s16 =	sshll.u32 s0, $0xA;
	s2 =	sadd.s32 s3, s2  }
0x8d: {  	s2 =	sadd.s32 s2, s16  }
0x8e: {  	[smem:$0x3FBE] =	sst s2  }
0x8f: {  	_ = 	snop  }
0x90: {  	(tm) =	ssettm $0x1  }
0x91: {  	s17 =	sld [smem:$0x3FFB];
	_ =	sdelay $0x3  }
0x92: {  	_ =	strace s17  }
0x93: {  	s2 =	sld [smem:$0x3FFC];
	_ =	sdelay $0x3  }
0x94: {  	_ =	strace s2  }
0x95: {  	s2 =	sld [smem:$0x3FFD];
	_ =	sdelay $0x3  }
0x96: {  	_ =	strace s2  }
0x97: {  	_ =	strace $0x8FFFFFFF  }
0x98: {  	s18 =	sld [smem:$0x3FDB];
	_ =	sdelay $0x1  }
0x99: {  	s19 =	simm.s32 $_scs_section_size  }
0x9a: {  	s4 =	simm.s32 $_size__tile_overlayer_lowered;
	s5 =	simm.s32 $_tile_overlayer_lowered  }
0x9b: {  	s22 =	simm.s32 $0x1BFF;
	s21 =	sshll.u32 s5, $0x1;
	s2 =	sadd.s32 s19, s18  }
0x9c: {  	s6 =	simm.s32 $0x0;
	s20 =	sshll.u32 s4, $0x1;
	s4 =	sadd.s32 s21, s2  }
0x9d: {  	[timem:s6], [sflag:s22] =	dma.local [hbm:s4], s20  }
0x9e: {  	_ =	swait.ge [sflag:s22], s20  }
0x9f: {  	s3 =	ssub.s32 $0x0, s20;
	[sflag:s22] =	ssyncset.done $0x0  }
0xa0: {  	[sflag:s22] =	ssyncadd.s32 s3;
	_ =	sdelay $0x1  }
0xa1: {  	s23 =	simm.s32 $0x1B8B  }
0xa2: {  	_ =	swait.ge [sflag:s23], $0x1  }
0xa3: {  	[sflag:s23] =	ssyncset.done $0x0  }
0xa4: {  	s25 =	simm.s32 $0x1B8E;
	s24 =	sld [smem:$0x3FFE];
	[sflag:s23] =	ssyncadd.s32 $0xFFFFFFFF  }
0xa5: {  	s26 =	simm.s32 $execute0_lowered;
	[smem:$0x3FD2] =	sst s25  }
0xa6: {  	s4 =	sshll.u32 s26, $0x1;
	_ =	strace $0x80000049;
	[dreg:$0x1] =	wrdreg $0xFFFFFFFF  }
0xa7: {  	s28 =	simm.s32 $_size_execute0_lowered;
	s2 =	sadd.s32 s2, s4;
	[dreg:$0x0] =	wrdreg $0x0  }
0xa8: {  	s4 =	sshll.u32 s28, $0x1;
	[dreg:$0x2] =	wrdreg s2  }
0xa9: {  	[dreg:$0x3] =	wrdreg s4  }
0xaa: {  	[dreg:$0x4] =	wrdreg $0xC0  }
0xab: {  	_ =	task [dreg:s6], $0x5FFFF  }
0xac: {  	[dreg:$0x1] =	wrdreg $0xFFFFFFFF  }
0xad: {  	[dreg:$0x0] =	wrdreg $0x60  }
0xae: {  	[dreg:$0x2] =	wrdreg s24  }
0xaf: {  	[dreg:$0x3] =	wrdreg $0x0  }
0xb0: {  	[dreg:$0x4] =	wrdreg $0x9  }
0xb1: {  	_ =	task.clear_ibuf [dreg:s6], $0x5FFFF;
	_ =	strace $0x90000049  }
0xb2: {  	s29 =	simm.s32 $0x9;
	_ =	strace $0x8000004B  }
0xb3: {  	_ =	swait.ge [sflag:s29], $0x1  }
0xb4: {  	[sflag:s29] =	ssyncadd.s32 $0xFFFFFFFF  }
0xb5: {  	_ =	strace $0x9000004B  }
0xb6: {  	_ =	sfence  }
0xb7: {  	s30 =	sld [smem:$0x0];
	_ =	sdelay $0x2  }
0xb8: {  	s31 =	sshll.u32 s1, $0xD;
	s1 =	sshrl.u32 s1, $0x2  }
0xb9: {  	s3 =	sand.u32 $0x4000, s31;
	s1 =	sadd.s32 s1, s30  }
0xba: {  	s0 =	sor.u32 s3, s0;
	s1 =	sshll.u32 s1, $0x11  }
0xbb: {  	s0 =	sor.u32 s1, s0  }
0xbc: {  	s0 =	sadd.s32 $0x8F2B, s0  }
0xbd: {  	[sflag:s0] =	ssyncadd.remote.s32 $0x1  }
0xbe: {  	_ =	sfence.sel $0xFFFF  }
0xbf: {  	[dreg:$0x0] =	wrdreg $0xFFFFFFFF;
	(pc) =	sbr.abs _section_cstart, $3  }
0xc0: {  	[dreg:$0x1] =	wrdreg $0xFFFFFFFF  }
0xc1: {  	_ =	task.clear_ibuf [dreg:s6], $0x2FFFF;
	_ =	strace $0x9FFFFFFF  }
0xc2: {  	(tm) =	ssettm $0x7FFFFFFF  }
0xc3: {  	_ =	shalt  }
tec
execute0_lowered:
.L_overlay_start_1:
0x0: {  	(tag) =	ssettag $0x1  }
0x1: {  	s0 =	srdreg.scid  }
0x2: {  	s1 =	rddreg [dreg:$0x0];
	s22 =	stileid.u32  }
0x3: {  	s2 =	rddreg [dreg:$0x1];
	s3 =	simm.s32 $0x0;
	s6 =	smul.u32 $0x2710, s22  }
0x4: {  	s28 =	simm.s32 $0x18100;
	s29 =	simm.s32 $0x1;
	s7 =	smul.u32 $0x50000, s22  }
0x5: {  	s30 =	simm.s32 $0x0;
	s5 =	sand.u32 $0x1, s0;
	s15 =	smul.u32 $0x14000, s22  }
0x6: {  	[smem:$0x7FF] =	sst s3;
	s22 =	simm.s32 $0x14000;
	s4 =	smul.u32 $0x27100, s5  }
0x7: {  	_ =	strace $0x8000004A;
	s23 =	ssub.s32 $0x2, s5;
	s16 =	smul.u32 $0x140000, s5  }
0x8: {  	s8 =	sshrl.u32 s23, $0x1;
	s7 =	sshrl.u32 s7, $0x2;
	s12 =	sadd.s32 $0x4000, s15  }
0x9: {  	s17 =	sadd.s32 $0x8000, s15;
	s18 =	sadd.s32 $0xC000, s15;
	s20 =	sadd.s32 $0x10000, s15  }
0xa: {  	s4 =	sadd.s32 s6, s4;
	s5 =	sadd.s32 s7, s2;
	s10 =	sadd.s32 s16, s15  }
0xb: {  	s13 =	sadd.s32 s16, s12;
	s12 =	sadd.s32 s12, s2;
	s14 =	sadd.s32 s17, s2  }
0xc: {  	s17 =	sadd.s32 s16, s17;
	s19 =	sadd.s32 s16, s18;
	s31 =	sadd.s32 s16, s20  }
0xd: {  	s16 =	sadd.s32 s18, s2;
	s18 =	sadd.s32 s20, s2;
	s6 =	sshrl.u32 s4, $0x3  }
0xe: {  	s4 =	sadd.s32 $0x2A200, s1;
	s25 =	sadd.s32 $0x4000, s5;
	s9 =	sadd.s32 $0xC000, s5  }
0xf: {  	s11 =	sshrl.u32 s10, $0x3;
	s10 =	sadd.s32 $0x10000, s5;
	s13 =	sshrl.u32 s13, $0x3  }
0x10: {  	s17 =	sshrl.u32 s17, $0x3;
	s26 =	sshrl.u32 s19, $0x3;
	s19 =	sshrl.u32 s31, $0x3  }
0x11: {  	s21 =	sadd.s32 s6, s1;
	s6 =	ssub.s32 s23, s8;
	s1 =	sadd.s32 $0x52200, s1  }
0x12: {  	[dreg:$0x4] =	wrdreg s25;
	s8 =	sadd.s32 $0x8000, s5;
	s23 =	simm.s32 $0x2  }
0x13: {  	s25 =	simm.s32 $0x18080;
	s24 =	smax.u32 s6, $0x1;
	s11 =	sadd.s32 s1, s11  }
0x14: {  	s13 =	sadd.s32 s1, s13;
	s15 =	sadd.s32 s1, s17;
	s17 =	sadd.s32 s1, s26  }
0x15: {  	s19 =	sadd.s32 s1, s19;
	s20 =	sadd.s32 $0x16600, s21;
	s21 =	sadd.s32 $0x20400, s21  }
0x16: {  	v0 =	vimm.f32 $0.0e+00;
	s26 =	simm.s32 $0x50;
	[dreg:$0x3] =	wrdreg s24;
	s24 =	simm.s32 $0x18000  }
.LBB2_1:
0x17: {  	s31 =	simm.s32 $0x0;
	s1 =	simm.s32 $0x200  }
.LBB2_2:
0x18: {  	p0 =	sne.s32 s1, $0xFE00;
	[tilespmem:s31+$0x14070] =	vst v0  }
0x19: {  	[tilespmem:s31+$0x14000] =	vst v0  }
0x1a: {  	[tilespmem:s31+$0x14010] =	vst v0  }
.Ltmp0:
0x1b: {  	[tilespmem:s31+$0x14020] =	vst v0;
	(pc) =	sbr.rel @p0 .LBB2_2-.Ltmp0, $4  }
0x1c: {  	[tilespmem:s31+$0x14030] =	vst v0  }
0x1d: {  	[tilespmem:s31+$0x14040] =	vst v0  }
0x1e: {  	[tilespmem:s31+$0x14050] =	vst v0  }
0x1f: {  	[tilespmem:s31+$0x14060] =	vst v0;
	s31 =	sshra.s32 s1, $0x2;
	s1 =	sadd.s32 $0x200, s1  }
0x20: {  	[tilespmem:s31+$0x14070] =	vst v0  }
0x21: {  	[tilespmem:s31+$0x14000] =	vst v0  }
0x22: {  	[tilespmem:s31+$0x14010] =	vst v0  }
0x23: {  	[tilespmem:s31+$0x14020] =	vst v0  }
0x24: {  	[tilespmem:s31+$0x14030] =	vst v0  }
0x25: {  	[tilespmem:s31+$0x14040] =	vst v0  }
0x26: {  	[tilespmem:s31+$0x14050] =	vst v0  }
0x27: {  	[tilespmem:s31+$0x14060] =	vst v0  }
0x28: {  	[spmem:s5] =	stream.linear.scatter [tilespmem:s22], [sflag:$0x2], $0x4000, $0x38;
	[tilespmem:$0x1A900] =	vst v63  }
0x29: {  	_ =	swait.ge [sflag:s23], $0x4000  }
0x2a: {  	[sflag:s23] =	ssyncset.done $0x0  }
0x2b: {  	s0 =	rddreg [dreg:$0x4];
	[sflag:s23] =	ssyncadd.s32 $0xFFFFC000  }
0x2c: {  	[spmem:s0] =	stream.linear.scatter [tilespmem:s22], [sflag:$0x2], $0x4000, $0x38;
	[tilespmem:$0x1A900] =	vst v63  }
0x2d: {  	_ =	swait.ge [sflag:s23], $0x4000  }
0x2e: {  	[sflag:s23] =	ssyncset.done $0x0  }
0x2f: {  	[sflag:s23] =	ssyncadd.s32 $0xFFFFC000  }
0x30: {  	[spmem:s8] =	stream.linear.scatter [tilespmem:s22], [sflag:$0x2], $0x4000, $0x38;
	[tilespmem:$0x1A900] =	vst v63  }
0x31: {  	_ =	swait.ge [sflag:s23], $0x4000  }
0x32: {  	[sflag:s23] =	ssyncset.done $0x0  }
0x33: {  	[sflag:s23] =	ssyncadd.s32 $0xFFFFC000  }
0x34: {  	[spmem:s9] =	stream.linear.scatter [tilespmem:s22], [sflag:$0x2], $0x4000, $0x38;
	[tilespmem:$0x1A900] =	vst v63  }
0x35: {  	_ =	swait.ge [sflag:s23], $0x4000  }
0x36: {  	[sflag:s23] =	ssyncset.done $0x0  }
0x37: {  	[sflag:s23] =	ssyncadd.s32 $0xFFFFC000  }
0x38: {  	[spmem:s10] =	stream.linear.scatter [tilespmem:s22], [sflag:$0x2], $0x4000, $0x38;
	[tilespmem:$0x1A900] =	vst v63  }
0x39: {  	_ =	swait.ge [sflag:s23], $0x4000  }
0x3a: {  	[sflag:s23] =	ssyncset.done $0x0  }
0x3b: {  	[sflag:s23] =	ssyncadd.s32 $0xFFFFC000  }
0x3c: {  	s1 =	sadd.s32 $0x0, s21;
	[bflag:$0x0] =	sbarrier.arrive $0xFFFF  }
0x3d: {  	[tilespmem:s24], [sflag:$0x2] =	stream.linear.gather [hbm4b:s1+s3], $0x50, $0x38;
	[tilespmem:$0x1A900] =	vst v63  }
0x3e: {  	_ =	swait.ge [sflag:s23], $0x50  }
0x3f: {  	[sflag:s23] =	ssyncset.done $0x0  }
0x40: {  	s7 =	sadd.s32 $0x0, s20;
	[sflag:s23] =	ssyncadd.s32 $0xFFFFFFB0  }
0x41: {  	[tilespmem:s25], [sflag:$0x2] =	stream.linear.gather [hbm4b:s7+s3], $0x50, $0x38;
	[tilespmem:$0x1A900] =	vst v63  }
0x42: {  	_ =	swait.ge [sflag:s23], $0x50  }
0x43: {  	[sflag:s23] =	ssyncset.done $0x0  }
0x44: {  	[sflag:s23] =	ssyncadd.s32 $0xFFFFFFB0  }
0x45: {  	[tilespmem:s28], [sflag:$0x1] =	stream.indirect.gather [hbm4b:s4+s26], $0x80, s24, s26, $0xb8;
	[tilespmem:$0x1A900] =	vst v63  }
0x46: {  	_ =	swait.ge [sflag:s29], $0x2800  }
0x47: {  	[sflag:s29] =	ssyncset.done $0x0  }
0x48: {  	[sflag:s29] =	ssyncadd.s32 $0xFFFFD800  }
0x49: {  	[spmem:s2] =	stream.indirect.scatter.add.f32 [tilespmem:s28], [sflag:$0x2], $0x80, s25, s26, $0xb8;
	[tilespmem:$0x1A900] =	vst v63  }
0x4a: {  	_ =	swait.ge [sflag:s23], $0x2800  }
0x4b: {  	s31 =	simm.s32 $0xA;
	s1 =	simm.s32 $0x14;
	[sflag:s23] =	ssyncset.done $0x0  }
.LBB2_4:
0x4c: {  	s0 =	sadd.s32 s31, s21  }
0x4d: {  	[sflag:s23] =	ssyncadd.s32 $0xFFFFD800;
	s6 =	smov.u32 s1;
	s7 =	sadd.s32 $0xA, s1  }
0x4e: {  	[tilespmem:s24], [sflag:$0x2] =	stream.linear.gather [hbm4b:s0+s3], $0x50, $0x38;
	[tilespmem:$0x1A900] =	vst v63  }
0x4f: {  	p0 =	sne.s32 s1, $0x4D8;
	_ =	swait.ge [sflag:s23], $0x50  }
0x50: {  	[sflag:s23] =	ssyncset.done $0x0  }
0x51: {  	s0 =	sadd.s32 s31, s20;
	s31 =	smov.u32 s6;
	[sflag:s23] =	ssyncadd.s32 $0xFFFFFFB0  }
0x52: {  	[tilespmem:s25], [sflag:$0x2] =	stream.linear.gather [hbm4b:s0+s3], $0x50, $0x38;
	[tilespmem:$0x1A900] =	vst v63  }
0x53: {  	_ =	swait.ge [sflag:s23], $0x50  }
0x54: {  	[sflag:s23] =	ssyncset.done $0x0  }
0x55: {  	[sflag:s23] =	ssyncadd.s32 $0xFFFFFFB0  }
0x56: {  	[tilespmem:s28], [sflag:$0x1] =	stream.indirect.gather [hbm4b:s4+s26], $0x80, s24, s26, $0xb8;
	[tilespmem:$0x1A900] =	vst v63  }
0x57: {  	_ =	swait.ge [sflag:s29], $0x2800  }
.Ltmp1:
0x58: {  	[sflag:s29] =	ssyncset.done $0x0;
	(pc) =	sbr.rel @p0 .LBB2_4-.Ltmp1, $4  }
0x59: {  	[sflag:s29] =	ssyncadd.s32 $0xFFFFD800  }
0x5a: {  	[spmem:s2] =	stream.indirect.scatter.add.f32 [tilespmem:s28], [sflag:$0x2], $0x80, s25, s26, $0xb8;
	[tilespmem:$0x1A900] =	vst v63  }
0x5b: {  	_ =	swait.ge [sflag:s23], $0x2800  }
0x5c: {  	s1 =	smov.u32 s7;
	[sflag:s23] =	ssyncset.done $0x0  }
0x5d: {  	s0 =	sadd.s32 s31, s21;
	[sflag:s23] =	ssyncadd.s32 $0xFFFFD800  }
0x5e: {  	[tilespmem:s24], [sflag:$0x2] =	stream.linear.gather [hbm4b:s0+s3], $0x50, $0x38;
	[tilespmem:$0x1A900] =	vst v63  }
0x5f: {  	_ =	swait.ge [sflag:s23], $0x50  }
0x60: {  	[sflag:s23] =	ssyncset.done $0x0  }
0x61: {  	s7 =	sadd.s32 s31, s20;
	[sflag:s23] =	ssyncadd.s32 $0xFFFFFFB0  }
0x62: {  	[tilespmem:s25], [sflag:$0x2] =	stream.linear.gather [hbm4b:s7+s3], $0x50, $0x38;
	[tilespmem:$0x1A900] =	vst v63  }
0x63: {  	_ =	swait.ge [sflag:s23], $0x50  }
0x64: {  	[sflag:s23] =	ssyncset.done $0x0  }
0x65: {  	[sflag:s23] =	ssyncadd.s32 $0xFFFFFFB0  }
0x66: {  	[tilespmem:s28], [sflag:$0x1] =	stream.indirect.gather [hbm4b:s4+s26], $0x80, s24, s26, $0xb8;
	[tilespmem:$0x1A900] =	vst v63  }
0x67: {  	_ =	swait.ge [sflag:s29], $0x2800  }
0x68: {  	[sflag:s29] =	ssyncset.done $0x0  }
0x69: {  	[sflag:s29] =	ssyncadd.s32 $0xFFFFD800  }
0x6a: {  	[spmem:s2] =	stream.indirect.scatter.add.f32 [tilespmem:s28], [sflag:$0x2], $0x80, s25, s26, $0xb8;
	[tilespmem:$0x1A900] =	vst v63  }
0x6b: {  	_ =	swait.ge [sflag:s23], $0x2800  }
0x6c: {  	[sflag:s23] =	ssyncset.done $0x0  }
0x6d: {  	[sflag:s23] =	ssyncadd.s32 $0xFFFFD800  }
0x6e: {  	[bflag:$0x0] =	sbarrier.arrive $0xFFFF  }
0x6f: {  	[tilespmem:s22], [sflag:$0x2] =	stream.linear.gather [spmem:s5], $0x4000, $0x38;
	[tilespmem:$0x1A900] =	vst v63  }
0x70: {  	_ =	swait.ge [sflag:s23], $0x4000  }
0x71: {  	[sflag:s23] =	ssyncset.done $0x0  }
0x72: {  	[sflag:s23] =	ssyncadd.s32 $0xFFFFC000  }
0x73: {  	[hbm4b:s11+s3] =	stream.linear.scatter [tilespmem:s22], [sflag:$0x2], $0x4000, $0x38;
	[tilespmem:$0x1A900] =	vst v63  }
0x74: {  	_ =	swait.ge [sflag:s23], $0x4000  }
0x75: {  	[sflag:s23] =	ssyncset.done $0x0  }
0x76: {  	[sflag:s23] =	ssyncadd.s32 $0xFFFFC000  }
0x77: {  	[tilespmem:s22], [sflag:$0x2] =	stream.linear.gather [spmem:s12], $0x4000, $0x38;
	[tilespmem:$0x1A900] =	vst v63  }
0x78: {  	_ =	swait.ge [sflag:s23], $0x4000  }
0x79: {  	[sflag:s23] =	ssyncset.done $0x0  }
0x7a: {  	[sflag:s23] =	ssyncadd.s32 $0xFFFFC000  }
0x7b: {  	[hbm4b:s13+s3] =	stream.linear.scatter [tilespmem:s22], [sflag:$0x2], $0x4000, $0x38;
	[tilespmem:$0x1A900] =	vst v63  }
0x7c: {  	_ =	swait.ge [sflag:s23], $0x4000  }
0x7d: {  	[sflag:s23] =	ssyncset.done $0x0  }
0x7e: {  	[sflag:s23] =	ssyncadd.s32 $0xFFFFC000  }
0x7f: {  	[tilespmem:s22], [sflag:$0x2] =	stream.linear.gather [spmem:s14], $0x4000, $0x38;
	[tilespmem:$0x1A900] =	vst v63  }
0x80: {  	_ =	swait.ge [sflag:s23], $0x4000  }
0x81: {  	[sflag:s23] =	ssyncset.done $0x0  }
0x82: {  	[sflag:s23] =	ssyncadd.s32 $0xFFFFC000  }
0x83: {  	[hbm4b:s15+s3] =	stream.linear.scatter [tilespmem:s22], [sflag:$0x2], $0x4000, $0x38;
	[tilespmem:$0x1A900] =	vst v63  }
0x84: {  	_ =	swait.ge [sflag:s23], $0x4000  }
0x85: {  	[sflag:s23] =	ssyncset.done $0x0  }
0x86: {  	[sflag:s23] =	ssyncadd.s32 $0xFFFFC000  }
0x87: {  	[tilespmem:s22], [sflag:$0x2] =	stream.linear.gather [spmem:s16], $0x4000, $0x38;
	[tilespmem:$0x1A900] =	vst v63  }
0x88: {  	_ =	swait.ge [sflag:s23], $0x4000  }
0x89: {  	[sflag:s23] =	ssyncset.done $0x0  }
0x8a: {  	[sflag:s23] =	ssyncadd.s32 $0xFFFFC000  }
0x8b: {  	[hbm4b:s17+s3] =	stream.linear.scatter [tilespmem:s22], [sflag:$0x2], $0x4000, $0x38;
	[tilespmem:$0x1A900] =	vst v63  }
0x8c: {  	_ =	swait.ge [sflag:s23], $0x4000  }
0x8d: {  	[sflag:s23] =	ssyncset.done $0x0  }
0x8e: {  	[sflag:s23] =	ssyncadd.s32 $0xFFFFC000  }
0x8f: {  	[tilespmem:s22], [sflag:$0x2] =	stream.linear.gather [spmem:s18], $0x4000, $0x38;
	[tilespmem:$0x1A900] =	vst v63  }
0x90: {  	_ =	swait.ge [sflag:s23], $0x4000  }
0x91: {  	[sflag:s23] =	ssyncset.done $0x0  }
0x92: {  	[sflag:s23] =	ssyncadd.s32 $0xFFFFC000  }
0x93: {  	[hbm4b:s19+s3] =	stream.linear.scatter [tilespmem:s22], [sflag:$0x2], $0x4000, $0x38;
	[tilespmem:$0x1A900] =	vst v63  }
0x94: {  	_ =	swait.ge [sflag:s23], $0x4000  }
0x95: {  	s30 =	sadd.s32 $0x1, s30;
	s31 =	rddreg [dreg:$0x3]  }
0x96: {  	p0 =	sne.s32 s30, s31  }
.Ltmp2:
0x97: {  	_ = 	snop;
	(pc) =	sbr.rel @p0 .LBB2_1-.Ltmp2, $3  }
0x98: {  	_ =	sdelay $0x1  }
0x99: {  	[sflag:s23] =	ssyncset.done $0x0  }
0x9a: {  	[sflag:s23] =	ssyncadd.s32 $0xFFFFC000  }
0x9b: {  	_ =	sfence.sel $0x180000  }
0x9c: {  	[bflag:$0x0] =	sbarrier.arrive $0xFFFF  }
0x9d: {  	_ =	strace $0x9000004A  }
0x9e: {  	s0 =	stileid.u32;
	[bflag:$0x2] =	sbarrier.arrive $0xFFFF  }
0x9f: {  	p0 =	sne.s32 s0, $0x0;
	s0 =	rddreg [dreg:$0x2]  }
0xa0: {  	s0 =	sadd.s32 @!p0 $0x100000, s0  }
0xa1: {  	[sflag:s0] =	ssyncadd.tile.s32 @!p0 $0x1;
	_ =	shalt  }
.Lfunc_end2:
_tile_overlayer_lowered:
.L_overlay_start_2:
0xa2: {  	(tag) =	ssettag $0x2  }
0xa3: {  	s0 =	rddreg [dreg:$0x0];
	s2 =	stileid.u32  }
0xa4: {  	s1 =	rddreg [dreg:$0x1];
	p0 =	sne.s32 s2, $0x0  }
0xa5: {  	s3 =	rddreg [dreg:$0x2];
	[bflag:$0x3] =	sbarrier.arrive $0xFFFF;
	s2 =	simm.s32 @!p0 $0x1C02  }
0xa6: {  	[timem:s3], [sflag:s2] =	dma.local @!p0 [hbm:s0], s1  }
0xa7: {  	s0 =	simm.s32 @!p0 $0x2  }
0xa8: {  	_ =	swait.ge @!p0 [sflag:s0], s1  }
0xa9: {  	s1 =	ssub.s32 @!p0 $0x0, s1;
	[sflag:s0] =	ssyncset.done @!p0 $0x0  }
0xaa: {  	[sflag:s0] =	ssyncadd.s32 @!p0 s1  }
0xab: {  	[bflag:$0x3] =	sbarrier.arrive $0xFFFF  }
0xac: {  	_ =	shalt  }

// kernel: kernel.16.cloned.1.call-start
scs
__scs_entry_jumppad:
0x0: {  	(pc) =	sbr.rel $0x88, $3  }
0x1: {  	(tag) =	ssettag $0x0;
	lr =	simm.s32 $0x1  }
0x2: {  	[smem:$0x3F97] =	sst lr;
	_ =	strace $0xD0000000  }
0x3: {  	_ = 	snop  }
0x4: {  	_ = 	snop  }
0x5: {  	_ = 	snop  }
0x6: {  	_ = 	snop  }
0x7: {  	_ = 	snop  }
__scs_overlays_trampoline_lowered:
0x8: {  	[smem:$0x3FA6] =	sst s0  }
0x9: {  	[smem:$0x3FA7] =	sst s1  }
0xa: {  	[smem:$0x3FA8] =	sst s2  }
0xb: {  	[smem:$0x3FA9] =	sst s3  }
0xc: {  	[smem:$0x3FAA] =	sst s4  }
0xd: {  	[smem:$0x3FAB] =	sst s5  }
0xe: {  	[smem:$0x3FAC] =	sst s6  }
0xf: {  	[smem:$0x3FAD] =	sst s7  }
0x10: {  	[smem:$0x3FAE] =	sst s8  }
0x11: {  	[smem:$0x3FAF] =	sst s9;
	s0 =	simm.s32 @!p0 $0x0  }
0x12: {  	s1 =	sld [smem:$0x3F95];
	s0 =	simm.s32 @p0 $0x1  }
0x13: {  	[smem:$0x3FB0] =	sst s0;
	s0 =	simm.s32 @!p1 $0x0  }
0x14: {  	s2 =	sld [smem:$0x3F94];
	s0 =	simm.s32 @p1 $0x1  }
0x15: {  	[smem:$0x3FB1] =	sst s0;
	s0 =	simm.s32 @!p2 $0x0  }
0x16: {  	s3 =	sld [smem:$0x3FDB];
	s0 =	simm.s32 @p2 $0x1  }
0x17: {  	s4 =	simm.s32 $0x1BF5;
	[smem:$0x3FB3] =	sst s0  }
0x18: {  	s0 =	sld [smem:$0x3F96];
	_ =	swait.ge [sflag:s4], $0x0  }
0x19: {  	s7 =	sld [smem:$0x3F97]  }
0x1a: {  	s8 =	sadd.s32 $0xFFFFE003, lr  }
0x1b: {  	s9 =	sadd.s32 $0xFFFFFEF7, lr;
	s5 =	simm.s32 $0xFFFFFFFF;
	p2 =	slt.u32 s8, $0xFFFFF086  }
0x1c: {  	p1 =	slt.u32 s9, $0xF7A;
	s5 =	simm.s32 @!p2 $0x0  }
0x1d: {  	s5 =	simm.s32 @p1 $0x1;
	p0 =	seq.s32 s7, s2  }
0x1e: {  	s7 =	smul.u32 @!p0 $0xF7A, s2;
	p2 =	seq.s32 @!p0 s5, $0x0  }
0x1f: {  	s9 =	smul.u32 $0xF7A, s1;
	s8 =	simm.s32 @!p0 $0x1BF5;
	p2 =	por !p2, p0  }
0x20: {  	[sflag:s8] =	ssyncset.s32 @!p0 $0xFFFFF086;
	s6 =	sadd.s32 @!p0 s3, s7;
	s7 =	simm.s32 @!p0 $0x108  }
0x21: {  	s3 =	sadd.s32 s3, s9;
	s6 =	sadd.s32 @!p0 $0x88, s6;
	s7 =	simm.s32 @p2 $0x1082  }
0x22: {  	[simem:s7], [sflag:s8] =	dma.local @!p0 [hbm:s6], $0xF7A  }
0x23: {  	s9 =	sor.u32 $0xD0000000, s2;
	s6 =	simm.s32 $0x108;
	_ =	swait.ge @!p0 [sflag:s8], $0x0  }
0x24: {  	s3 =	sadd.s32 $0x88, s3;
	s6 =	simm.s32 @!p1 $0x1082;
	[sflag:s4] =	ssyncset.s32 $0xFFFFF086  }
0x25: {  	[simem:s6], [sflag:s4] =	dma.local [hbm:s3], $0xF7A  }
0x26: {  	[smem:$0x3F97] =	sst s1;
	(tag) =	ssettag s2;
	_ =	strace s9  }
0x27: {  	s1 =	sld [smem:$0x3FA7]  }
0x28: {  	s2 =	sld [smem:$0x3FA8]  }
0x29: {  	s4 =	sld [smem:$0x3FAA]  }
0x2a: {  	p0 =	seq.s32 s5, $0x0;
	s5 =	sld [smem:$0x3FAB]  }
0x2b: {  	s6 =	sld [smem:$0x3FAC]  }
0x2c: {  	s7 =	sld [smem:$0x3FAD]  }
0x2d: {  	s3 =	simm.s32 $0x108;
	s8 =	sld [smem:$0x3FAE]  }
0x2e: {  	s3 =	simm.s32 @!p0 $0x1082;
	s9 =	sld [smem:$0x3FAF]  }
0x2f: {  	lr =	sadd.s32 s0, s3;
	s0 =	sld [smem:$0x3FA6]  }
0x30: {  	s3 =	sld [smem:$0x3FA9]  }
0x31: {  	[smem:$0x3FB2] =	sst s10  }
0x32: {  	s10 =	sld [smem:$0x3FB0];
	_ =	sdelay $0x3  }
0x33: {  	p0 =	seq.s32 s10, $0x1;
	s10 =	sld [smem:$0x3FB2];
	_ =	sdelay $0x3  }
0x34: {  	[smem:$0x3FB2] =	sst s10  }
0x35: {  	s10 =	sld [smem:$0x3FB1];
	_ =	sdelay $0x3  }
0x36: {  	p1 =	seq.s32 s10, $0x1;
	s10 =	sld [smem:$0x3FB2];
	_ =	sdelay $0x3  }
0x37: {  	[smem:$0x3FB2] =	sst s10  }
0x38: {  	s10 =	sld [smem:$0x3FB3]  }
0x39: {  	_ = 	snop;
	(pc) =	sbr.ind lr, $3  }
0x3a: {  	_ = 	snop  }
0x3b: {  	_ = 	snop  }
0x3c: {  	p2 =	seq.s32 s10, $0x1;
	s10 =	sld [smem:$0x3FB2]  }
0x3d: {  	_ =	shalt  }
0x3e: {  	_ =	shalt  }
0x3f: {  	_ =	shalt  }
0x40: {  	_ =	shalt  }
0x41: {  	_ =	shalt  }
0x42: {  	_ =	shalt  }
0x43: {  	_ =	shalt  }
0x44: {  	_ =	shalt  }
0x45: {  	_ =	shalt  }
0x46: {  	_ =	shalt  }
0x47: {  	_ =	shalt  }
0x48: {  	_ =	shalt  }
0x49: {  	_ =	shalt  }
0x4a: {  	_ =	shalt  }
0x4b: {  	_ =	shalt  }
0x4c: {  	_ =	shalt  }
0x4d: {  	_ =	shalt  }
0x4e: {  	_ =	shalt  }
0x4f: {  	_ =	shalt  }
0x50: {  	_ =	shalt  }
0x51: {  	_ =	shalt  }
0x52: {  	_ =	shalt  }
0x53: {  	_ =	shalt  }
0x54: {  	_ =	shalt  }
0x55: {  	_ =	shalt  }
0x56: {  	_ =	shalt  }
0x57: {  	_ =	shalt  }
0x58: {  	_ =	shalt  }
0x59: {  	_ =	shalt  }
0x5a: {  	_ =	shalt  }
0x5b: {  	_ =	shalt  }
0x5c: {  	_ =	shalt  }
0x5d: {  	_ =	shalt  }
0x5e: {  	_ =	shalt  }
0x5f: {  	_ =	shalt  }
0x60: {  	_ =	shalt  }
0x61: {  	_ =	shalt  }
0x62: {  	_ =	shalt  }
0x63: {  	_ =	shalt  }
0x64: {  	_ =	shalt  }
0x65: {  	_ =	shalt  }
0x66: {  	_ =	shalt  }
0x67: {  	_ =	shalt  }
0x68: {  	_ =	shalt  }
0x69: {  	_ =	shalt  }
0x6a: {  	_ =	shalt  }
0x6b: {  	_ =	shalt  }
0x6c: {  	_ =	shalt  }
0x6d: {  	_ =	shalt  }
0x6e: {  	_ =	shalt  }
0x6f: {  	_ =	shalt  }
0x70: {  	_ =	shalt  }
0x71: {  	_ =	shalt  }
0x72: {  	_ =	shalt  }
0x73: {  	_ =	shalt  }
0x74: {  	_ =	shalt  }
0x75: {  	_ =	shalt  }
0x76: {  	_ =	shalt  }
0x77: {  	_ =	shalt  }
0x78: {  	_ =	shalt  }
0x79: {  	_ =	shalt  }
0x7a: {  	_ =	shalt  }
0x7b: {  	_ =	shalt  }
0x7c: {  	_ =	shalt  }
0x7d: {  	_ =	shalt  }
0x7e: {  	_ =	shalt  }
0x7f: {  	_ =	shalt  }
0x80: {  	_ =	shalt  }
0x81: {  	_ =	shalt  }
0x82: {  	_ =	shalt  }
0x83: {  	_ =	shalt  }
0x84: {  	_ =	shalt  }
0x85: {  	_ =	shalt  }
0x86: {  	_ =	shalt  }
0x87: {  	_ =	shalt  }
.Lfunc_end0:
.L_simem_size_0:
called_computation.2_lowered:
.L_overlay_start_0:
0x88: {  	s2 =	sld [smem:$0x3FD9]  }
0x89: {  	s3 =	sld [smem:$0x3FFE];
	_ =	sdelay $0x1  }
0x8a: {  	s1 =	srdreg.scid  }
0x8b: {  	s0 =	sand.u32 $0x1, s1  }
0x8c: {  	s16 =	sshll.u32 s0, $0xA;
	s2 =	sadd.s32 s3, s2  }
0x8d: {  	s2 =	sadd.s32 s2, s16  }
0x8e: {  	[smem:$0x3FBE] =	sst s2  }
0x8f: {  	_ = 	snop  }
0x90: {  	(tm) =	ssettm $0x1  }
0x91: {  	s17 =	sld [smem:$0x3FFB];
	_ =	sdelay $0x3  }
0x92: {  	_ =	strace s17  }
0x93: {  	s2 =	sld [smem:$0x3FFC];
	_ =	sdelay $0x3  }
0x94: {  	_ =	strace s2  }
0x95: {  	s2 =	sld [smem:$0x3FFD];
	_ =	sdelay $0x3  }
0x96: {  	_ =	strace s2  }
0x97: {  	_ =	strace $0x8FFFFFFF  }
0x98: {  	s18 =	sld [smem:$0x3FDB];
	_ =	sdelay $0x1  }
0x99: {  	s19 =	simm.s32 $_scs_section_size  }
0x9a: {  	s4 =	simm.s32 $_size__tile_overlayer_lowered;
	s5 =	simm.s32 $_tile_overlayer_lowered  }
0x9b: {  	s22 =	simm.s32 $0x1BFF;
	s21 =	sshll.u32 s5, $0x1;
	s2 =	sadd.s32 s19, s18  }
0x9c: {  	s6 =	simm.s32 $0x0;
	s20 =	sshll.u32 s4, $0x1;
	s4 =	sadd.s32 s21, s2  }
0x9d: {  	[timem:s6], [sflag:s22] =	dma.local [hbm:s4], s20  }
0x9e: {  	_ =	swait.ge [sflag:s22], s20  }
0x9f: {  	s3 =	ssub.s32 $0x0, s20;
	[sflag:s22] =	ssyncset.done $0x0  }
0xa0: {  	[sflag:s22] =	ssyncadd.s32 s3;
	_ =	sdelay $0x1  }
0xa1: {  	s23 =	simm.s32 $0x1B8B  }
0xa2: {  	_ =	swait.ge [sflag:s23], $0x1  }
0xa3: {  	[sflag:s23] =	ssyncset.done $0x0  }
0xa4: {  	s25 =	simm.s32 $0x1B8E;
	s24 =	sld [smem:$0x3FFE];
	[sflag:s23] =	ssyncadd.s32 $0xFFFFFFFF  }
0xa5: {  	s26 =	simm.s32 $execute0_lowered;
	[smem:$0x3FD2] =	sst s25  }
0xa6: {  	s4 =	sshll.u32 s26, $0x1;
	_ =	strace $0x8000004C;
	[dreg:$0x1] =	wrdreg $0xFFFFFFFF  }
0xa7: {  	s28 =	simm.s32 $_size_execute0_lowered;
	s2 =	sadd.s32 s2, s4;
	[dreg:$0x0] =	wrdreg $0x0  }
0xa8: {  	s4 =	sshll.u32 s28, $0x1;
	[dreg:$0x2] =	wrdreg s2  }
0xa9: {  	[dreg:$0x3] =	wrdreg s4  }
0xaa: {  	[dreg:$0x4] =	wrdreg $0xC0  }
0xab: {  	_ =	task [dreg:s6], $0x5FFFF  }
0xac: {  	[dreg:$0x1] =	wrdreg $0xFFFFFFFF  }
0xad: {  	[dreg:$0x0] =	wrdreg $0x60  }
0xae: {  	[dreg:$0x2] =	wrdreg s24  }
0xaf: {  	[dreg:$0x3] =	wrdreg $0x0  }
0xb0: {  	[dreg:$0x4] =	wrdreg $0x9  }
0xb1: {  	_ =	task.clear_ibuf [dreg:s6], $0x5FFFF;
	_ =	strace $0x9000004C  }
0xb2: {  	s29 =	simm.s32 $0x9;
	_ =	strace $0x8000004E  }
0xb3: {  	_ =	swait.ge [sflag:s29], $0x1  }
0xb4: {  	[sflag:s29] =	ssyncadd.s32 $0xFFFFFFFF  }
0xb5: {  	_ =	strace $0x9000004E  }
0xb6: {  	_ =	sfence  }
0xb7: {  	s30 =	sld [smem:$0x0];
	_ =	sdelay $0x2  }
0xb8: {  	s31 =	sshll.u32 s1, $0xD;
	s1 =	sshrl.u32 s1, $0x2  }
0xb9: {  	s3 =	sand.u32 $0x4000, s31;
	s1 =	sadd.s32 s1, s30  }
0xba: {  	s0 =	sor.u32 s3, s0;
	s1 =	sshll.u32 s1, $0x11  }
0xbb: {  	s0 =	sor.u32 s1, s0  }
0xbc: {  	s0 =	sadd.s32 $0x8F2B, s0  }
0xbd: {  	[sflag:s0] =	ssyncadd.remote.s32 $0x1  }
0xbe: {  	_ =	sfence.sel $0xFFFF  }
0xbf: {  	[dreg:$0x0] =	wrdreg $0xFFFFFFFF;
	(pc) =	sbr.abs _section_cstart, $3  }
0xc0: {  	[dreg:$0x1] =	wrdreg $0xFFFFFFFF  }
0xc1: {  	_ =	task.clear_ibuf [dreg:s6], $0x2FFFF;
	_ =	strace $0x9FFFFFFF  }
0xc2: {  	(tm) =	ssettm $0x7FFFFFFF  }
0xc3: {  	_ =	shalt  }
tec
execute0_lowered:
.L_overlay_start_1:
0x0: {  	(tag) =	ssettag $0x1  }
0x1: {  	s0 =	srdreg.scid  }
0x2: {  	s1 =	rddreg [dreg:$0x0];
	s22 =	stileid.u32  }
0x3: {  	s2 =	rddreg [dreg:$0x1];
	s3 =	simm.s32 $0x0;
	s6 =	smul.u32 $0x2710, s22  }
0x4: {  	s28 =	simm.s32 $0x18100;
	s29 =	simm.s32 $0x1;
	s7 =	smul.u32 $0x50000, s22  }
0x5: {  	s30 =	simm.s32 $0x0;
	s5 =	sand.u32 $0x1, s0;
	s15 =	smul.u32 $0x14000, s22  }
0x6: {  	[smem:$0x7FF] =	sst s3;
	s22 =	simm.s32 $0x14000;
	s4 =	smul.u32 $0x27100, s5  }
0x7: {  	_ =	strace $0x8000004D;
	s23 =	ssub.s32 $0x2, s5;
	s16 =	smul.u32 $0x140000, s5  }
0x8: {  	s8 =	sshrl.u32 s23, $0x1;
	s7 =	sshrl.u32 s7, $0x2;
	s12 =	sadd.s32 $0x4000, s15  }
0x9: {  	s17 =	sadd.s32 $0x8000, s15;
	s18 =	sadd.s32 $0xC000, s15;
	s20 =	sadd.s32 $0x10000, s15  }
0xa: {  	s4 =	sadd.s32 s6, s4;
	s5 =	sadd.s32 s7, s2;
	s10 =	sadd.s32 s16, s15  }
0xb: {  	s13 =	sadd.s32 s16, s12;
	s12 =	sadd.s32 s12, s2;
	s14 =	sadd.s32 s17, s2  }
0xc: {  	s17 =	sadd.s32 s16, s17;
	s19 =	sadd.s32 s16, s18;
	s31 =	sadd.s32 s16, s20  }
0xd: {  	s16 =	sadd.s32 s18, s2;
	s18 =	sadd.s32 s20, s2;
	s6 =	sshrl.u32 s4, $0x3  }
0xe: {  	s4 =	sadd.s32 $0x2A200, s1;
	s25 =	sadd.s32 $0x4000, s5;
	s9 =	sadd.s32 $0xC000, s5  }
0xf: {  	s11 =	sshrl.u32 s10, $0x3;
	s10 =	sadd.s32 $0x10000, s5;
	s13 =	sshrl.u32 s13, $0x3  }
0x10: {  	s17 =	sshrl.u32 s17, $0x3;
	s26 =	sshrl.u32 s19, $0x3;
	s19 =	sshrl.u32 s31, $0x3  }
0x11: {  	s21 =	sadd.s32 s6, s1;
	s6 =	ssub.s32 s23, s8;
	s1 =	sadd.s32 $0x52200, s1  }
0x12: {  	[dreg:$0x4] =	wrdreg s25;
	s8 =	sadd.s32 $0x8000, s5;
	s23 =	simm.s32 $0x2  }
0x13: {  	s25 =	simm.s32 $0x18080;
	s24 =	smax.u32 s6, $0x1;
	s11 =	sadd.s32 s1, s11  }
0x14: {  	s13 =	sadd.s32 s1, s13;
	s15 =	sadd.s32 s1, s17;
	s17 =	sadd.s32 s1, s26  }
0x15: {  	s19 =	sadd.s32 s1, s19;
	s20 =	sadd.s32 $0x16600, s21;
	s21 =	sadd.s32 $0x20400, s21  }
0x16: {  	v0 =	vimm.f32 $0.0e+00;
	s26 =	simm.s32 $0x50;
	[dreg:$0x3] =	wrdreg s24;
	s24 =	simm.s32 $0x18000  }
.LBB2_1:
0x17: {  	s31 =	simm.s32 $0x0;
	s1 =	simm.s32 $0x200  }
.LBB2_2:
0x18: {  	p0 =	sne.s32 s1, $0xFE00;
	[tilespmem:s31+$0x14070] =	vst v0  }
0x19: {  	[tilespmem:s31+$0x14000] =	vst v0  }
0x1a: {  	[tilespmem:s31+$0x14010] =	vst v0  }
.Ltmp0:
0x1b: {  	[tilespmem:s31+$0x14020] =	vst v0;
	(pc) =	sbr.rel @p0 .LBB2_2-.Ltmp0, $4  }
0x1c: {  	[tilespmem:s31+$0x14030] =	vst v0  }
0x1d: {  	[tilespmem:s31+$0x14040] =	vst v0  }
0x1e: {  	[tilespmem:s31+$0x14050] =	vst v0  }
0x1f: {  	[tilespmem:s31+$0x14060] =	vst v0;
	s31 =	sshra.s32 s1, $0x2;
	s1 =	sadd.s32 $0x200, s1  }
0x20: {  	[tilespmem:s31+$0x14070] =	vst v0  }
0x21: {  	[tilespmem:s31+$0x14000] =	vst v0  }
0x22: {  	[tilespmem:s31+$0x14010] =	vst v0  }
0x23: {  	[tilespmem:s31+$0x14020] =	vst v0  }
0x24: {  	[tilespmem:s31+$0x14030] =	vst v0  }
0x25: {  	[tilespmem:s31+$0x14040] =	vst v0  }
0x26: {  	[tilespmem:s31+$0x14050] =	vst v0  }
0x27: {  	[tilespmem:s31+$0x14060] =	vst v0  }
0x28: {  	[spmem:s5] =	stream.linear.scatter [tilespmem:s22], [sflag:$0x2], $0x4000, $0x38;
	[tilespmem:$0x1A900] =	vst v63  }
0x29: {  	_ =	swait.ge [sflag:s23], $0x4000  }
0x2a: {  	[sflag:s23] =	ssyncset.done $0x0  }
0x2b: {  	s0 =	rddreg [dreg:$0x4];
	[sflag:s23] =	ssyncadd.s32 $0xFFFFC000  }
0x2c: {  	[spmem:s0] =	stream.linear.scatter [tilespmem:s22], [sflag:$0x2], $0x4000, $0x38;
	[tilespmem:$0x1A900] =	vst v63  }
0x2d: {  	_ =	swait.ge [sflag:s23], $0x4000  }
0x2e: {  	[sflag:s23] =	ssyncset.done $0x0  }
0x2f: {  	[sflag:s23] =	ssyncadd.s32 $0xFFFFC000  }
0x30: {  	[spmem:s8] =	stream.linear.scatter [tilespmem:s22], [sflag:$0x2], $0x4000, $0x38;
	[tilespmem:$0x1A900] =	vst v63  }
0x31: {  	_ =	swait.ge [sflag:s23], $0x4000  }
0x32: {  	[sflag:s23] =	ssyncset.done $0x0  }
0x33: {  	[sflag:s23] =	ssyncadd.s32 $0xFFFFC000  }
0x34: {  	[spmem:s9] =	stream.linear.scatter [tilespmem:s22], [sflag:$0x2], $0x4000, $0x38;
	[tilespmem:$0x1A900] =	vst v63  }
0x35: {  	_ =	swait.ge [sflag:s23], $0x4000  }
0x36: {  	[sflag:s23] =	ssyncset.done $0x0  }
0x37: {  	[sflag:s23] =	ssyncadd.s32 $0xFFFFC000  }
0x38: {  	[spmem:s10] =	stream.linear.scatter [tilespmem:s22], [sflag:$0x2], $0x4000, $0x38;
	[tilespmem:$0x1A900] =	vst v63  }
0x39: {  	_ =	swait.ge [sflag:s23], $0x4000  }
0x3a: {  	[sflag:s23] =	ssyncset.done $0x0  }
0x3b: {  	[sflag:s23] =	ssyncadd.s32 $0xFFFFC000  }
0x3c: {  	s1 =	sadd.s32 $0x0, s21;
	[bflag:$0x0] =	sbarrier.arrive $0xFFFF  }
0x3d: {  	[tilespmem:s24], [sflag:$0x2] =	stream.linear.gather [hbm4b:s1+s3], $0x50, $0x38;
	[tilespmem:$0x1A900] =	vst v63  }
0x3e: {  	_ =	swait.ge [sflag:s23], $0x50  }
0x3f: {  	[sflag:s23] =	ssyncset.done $0x0  }
0x40: {  	s7 =	sadd.s32 $0x0, s20;
	[sflag:s23] =	ssyncadd.s32 $0xFFFFFFB0  }
0x41: {  	[tilespmem:s25], [sflag:$0x2] =	stream.linear.gather [hbm4b:s7+s3], $0x50, $0x38;
	[tilespmem:$0x1A900] =	vst v63  }
0x42: {  	_ =	swait.ge [sflag:s23], $0x50  }
0x43: {  	[sflag:s23] =	ssyncset.done $0x0  }
0x44: {  	[sflag:s23] =	ssyncadd.s32 $0xFFFFFFB0  }
0x45: {  	[tilespmem:s28], [sflag:$0x1] =	stream.indirect.gather [hbm4b:s4+s26], $0x80, s24, s26, $0xb8;
	[tilespmem:$0x1A900] =	vst v63  }
0x46: {  	_ =	swait.ge [sflag:s29], $0x2800  }
0x47: {  	[sflag:s29] =	ssyncset.done $0x0  }
0x48: {  	[sflag:s29] =	ssyncadd.s32 $0xFFFFD800  }
0x49: {  	[spmem:s2] =	stream.indirect.scatter.add.f32 [tilespmem:s28], [sflag:$0x2], $0x80, s25, s26, $0xb8;
	[tilespmem:$0x1A900] =	vst v63  }
0x4a: {  	_ =	swait.ge [sflag:s23], $0x2800  }
0x4b: {  	s31 =	simm.s32 $0xA;
	s1 =	simm.s32 $0x14;
	[sflag:s23] =	ssyncset.done $0x0  }
.LBB2_4:
0x4c: {  	s0 =	sadd.s32 s31, s21  }
0x4d: {  	[sflag:s23] =	ssyncadd.s32 $0xFFFFD800;
	s6 =	smov.u32 s1;
	s7 =	sadd.s32 $0xA, s1  }
0x4e: {  	[tilespmem:s24], [sflag:$0x2] =	stream.linear.gather [hbm4b:s0+s3], $0x50, $0x38;
	[tilespmem:$0x1A900] =	vst v63  }
0x4f: {  	p0 =	sne.s32 s1, $0x4D8;
	_ =	swait.ge [sflag:s23], $0x50  }
0x50: {  	[sflag:s23] =	ssyncset.done $0x0  }
0x51: {  	s0 =	sadd.s32 s31, s20;
	s31 =	smov.u32 s6;
	[sflag:s23] =	ssyncadd.s32 $0xFFFFFFB0  }
0x52: {  	[tilespmem:s25], [sflag:$0x2] =	stream.linear.gather [hbm4b:s0+s3], $0x50, $0x38;
	[tilespmem:$0x1A900] =	vst v63  }
0x53: {  	_ =	swait.ge [sflag:s23], $0x50  }
0x54: {  	[sflag:s23] =	ssyncset.done $0x0  }
0x55: {  	[sflag:s23] =	ssyncadd.s32 $0xFFFFFFB0  }
0x56: {  	[tilespmem:s28], [sflag:$0x1] =	stream.indirect.gather [hbm4b:s4+s26], $0x80, s24, s26, $0xb8;
	[tilespmem:$0x1A900] =	vst v63  }
0x57: {  	_ =	swait.ge [sflag:s29], $0x2800  }
.Ltmp1:
0x58: {  	[sflag:s29] =	ssyncset.done $0x0;
	(pc) =	sbr.rel @p0 .LBB2_4-.Ltmp1, $4  }
0x59: {  	[sflag:s29] =	ssyncadd.s32 $0xFFFFD800  }
0x5a: {  	[spmem:s2] =	stream.indirect.scatter.add.f32 [tilespmem:s28], [sflag:$0x2], $0x80, s25, s26, $0xb8;
	[tilespmem:$0x1A900] =	vst v63  }
0x5b: {  	_ =	swait.ge [sflag:s23], $0x2800  }
0x5c: {  	s1 =	smov.u32 s7;
	[sflag:s23] =	ssyncset.done $0x0  }
0x5d: {  	s0 =	sadd.s32 s31, s21;
	[sflag:s23] =	ssyncadd.s32 $0xFFFFD800  }
0x5e: {  	[tilespmem:s24], [sflag:$0x2] =	stream.linear.gather [hbm4b:s0+s3], $0x50, $0x38;
	[tilespmem:$0x1A900] =	vst v63  }
0x5f: {  	_ =	swait.ge [sflag:s23], $0x50  }
0x60: {  	[sflag:s23] =	ssyncset.done $0x0  }
0x61: {  	s7 =	sadd.s32 s31, s20;
	[sflag:s23] =	ssyncadd.s32 $0xFFFFFFB0  }
0x62: {  	[tilespmem:s25], [sflag:$0x2] =	stream.linear.gather [hbm4b:s7+s3], $0x50, $0x38;
	[tilespmem:$0x1A900] =	vst v63  }
0x63: {  	_ =	swait.ge [sflag:s23], $0x50  }
0x64: {  	[sflag:s23] =	ssyncset.done $0x0  }
0x65: {  	[sflag:s23] =	ssyncadd.s32 $0xFFFFFFB0  }
0x66: {  	[tilespmem:s28], [sflag:$0x1] =	stream.indirect.gather [hbm4b:s4+s26], $0x80, s24, s26, $0xb8;
	[tilespmem:$0x1A900] =	vst v63  }
0x67: {  	_ =	swait.ge [sflag:s29], $0x2800  }
0x68: {  	[sflag:s29] =	ssyncset.done $0x0  }
0x69: {  	[sflag:s29] =	ssyncadd.s32 $0xFFFFD800  }
0x6a: {  	[spmem:s2] =	stream.indirect.scatter.add.f32 [tilespmem:s28], [sflag:$0x2], $0x80, s25, s26, $0xb8;
	[tilespmem:$0x1A900] =	vst v63  }
0x6b: {  	_ =	swait.ge [sflag:s23], $0x2800  }
0x6c: {  	[sflag:s23] =	ssyncset.done $0x0  }
0x6d: {  	[sflag:s23] =	ssyncadd.s32 $0xFFFFD800  }
0x6e: {  	[bflag:$0x0] =	sbarrier.arrive $0xFFFF  }
0x6f: {  	[tilespmem:s22], [sflag:$0x2] =	stream.linear.gather [spmem:s5], $0x4000, $0x38;
	[tilespmem:$0x1A900] =	vst v63  }
0x70: {  	_ =	swait.ge [sflag:s23], $0x4000  }
0x71: {  	[sflag:s23] =	ssyncset.done $0x0  }
0x72: {  	[sflag:s23] =	ssyncadd.s32 $0xFFFFC000  }
0x73: {  	[hbm4b:s11+s3] =	stream.linear.scatter [tilespmem:s22], [sflag:$0x2], $0x4000, $0x38;
	[tilespmem:$0x1A900] =	vst v63  }
0x74: {  	_ =	swait.ge [sflag:s23], $0x4000  }
0x75: {  	[sflag:s23] =	ssyncset.done $0x0  }
0x76: {  	[sflag:s23] =	ssyncadd.s32 $0xFFFFC000  }
0x77: {  	[tilespmem:s22], [sflag:$0x2] =	stream.linear.gather [spmem:s12], $0x4000, $0x38;
	[tilespmem:$0x1A900] =	vst v63  }
0x78: {  	_ =	swait.ge [sflag:s23], $0x4000  }
0x79: {  	[sflag:s23] =	ssyncset.done $0x0  }
0x7a: {  	[sflag:s23] =	ssyncadd.s32 $0xFFFFC000  }
0x7b: {  	[hbm4b:s13+s3] =	stream.linear.scatter [tilespmem:s22], [sflag:$0x2], $0x4000, $0x38;
	[tilespmem:$0x1A900] =	vst v63  }
0x7c: {  	_ =	swait.ge [sflag:s23], $0x4000  }
0x7d: {  	[sflag:s23] =	ssyncset.done $0x0  }
0x7e: {  	[sflag:s23] =	ssyncadd.s32 $0xFFFFC000  }
0x7f: {  	[tilespmem:s22], [sflag:$0x2] =	stream.linear.gather [spmem:s14], $0x4000, $0x38;
	[tilespmem:$0x1A900] =	vst v63  }
0x80: {  	_ =	swait.ge [sflag:s23], $0x4000  }
0x81: {  	[sflag:s23] =	ssyncset.done $0x0  }
0x82: {  	[sflag:s23] =	ssyncadd.s32 $0xFFFFC000  }
0x83: {  	[hbm4b:s15+s3] =	stream.linear.scatter [tilespmem:s22], [sflag:$0x2], $0x4000, $0x38;
	[tilespmem:$0x1A900] =	vst v63  }
0x84: {  	_ =	swait.ge [sflag:s23], $0x4000  }
0x85: {  	[sflag:s23] =	ssyncset.done $0x0  }
0x86: {  	[sflag:s23] =	ssyncadd.s32 $0xFFFFC000  }
0x87: {  	[tilespmem:s22], [sflag:$0x2] =	stream.linear.gather [spmem:s16], $0x4000, $0x38;
	[tilespmem:$0x1A900] =	vst v63  }
0x88: {  	_ =	swait.ge [sflag:s23], $0x4000  }
0x89: {  	[sflag:s23] =	ssyncset.done $0x0  }
0x8a: {  	[sflag:s23] =	ssyncadd.s32 $0xFFFFC000  }
0x8b: {  	[hbm4b:s17+s3] =	stream.linear.scatter [tilespmem:s22], [sflag:$0x2], $0x4000, $0x38;
	[tilespmem:$0x1A900] =	vst v63  }
0x8c: {  	_ =	swait.ge [sflag:s23], $0x4000  }
0x8d: {  	[sflag:s23] =	ssyncset.done $0x0  }
0x8e: {  	[sflag:s23] =	ssyncadd.s32 $0xFFFFC000  }
0x8f: {  	[tilespmem:s22], [sflag:$0x2] =	stream.linear.gather [spmem:s18], $0x4000, $0x38;
	[tilespmem:$0x1A900] =	vst v63  }
0x90: {  	_ =	swait.ge [sflag:s23], $0x4000  }
0x91: {  	[sflag:s23] =	ssyncset.done $0x0  }
0x92: {  	[sflag:s23] =	ssyncadd.s32 $0xFFFFC000  }
0x93: {  	[hbm4b:s19+s3] =	stream.linear.scatter [tilespmem:s22], [sflag:$0x2], $0x4000, $0x38;
	[tilespmem:$0x1A900] =	vst v63  }
0x94: {  	_ =	swait.ge [sflag:s23], $0x4000  }
0x95: {  	s30 =	sadd.s32 $0x1, s30;
	s31 =	rddreg [dreg:$0x3]  }
0x96: {  	p0 =	sne.s32 s30, s31  }
.Ltmp2:
0x97: {  	_ = 	snop;
	(pc) =	sbr.rel @p0 .LBB2_1-.Ltmp2, $3  }
0x98: {  	_ =	sdelay $0x1  }
0x99: {  	[sflag:s23] =	ssyncset.done $0x0  }
0x9a: {  	[sflag:s23] =	ssyncadd.s32 $0xFFFFC000  }
0x9b: {  	_ =	sfence.sel $0x180000  }
0x9c: {  	[bflag:$0x0] =	sbarrier.arrive $0xFFFF  }
0x9d: {  	_ =	strace $0x9000004D  }
0x9e: {  	s0 =	stileid.u32;
	[bflag:$0x2] =	sbarrier.arrive $0xFFFF  }
0x9f: {  	p0 =	sne.s32 s0, $0x0;
	s0 =	rddreg [dreg:$0x2]  }
0xa0: {  	s0 =	sadd.s32 @!p0 $0x100000, s0  }
0xa1: {  	[sflag:s0] =	ssyncadd.tile.s32 @!p0 $0x1;
	_ =	shalt  }
.Lfunc_end2:
_tile_overlayer_lowered:
.L_overlay_start_2:
0xa2: {  	(tag) =	ssettag $0x2  }
0xa3: {  	s0 =	rddreg [dreg:$0x0];
	s2 =	stileid.u32  }
0xa4: {  	s1 =	rddreg [dreg:$0x1];
	p0 =	sne.s32 s2, $0x0  }
0xa5: {  	s3 =	rddreg [dreg:$0x2];
	[bflag:$0x3] =	sbarrier.arrive $0xFFFF;
	s2 =	simm.s32 @!p0 $0x1C02  }
0xa6: {  	[timem:s3], [sflag:s2] =	dma.local @!p0 [hbm:s0], s1  }
0xa7: {  	s0 =	simm.s32 @!p0 $0x2  }
0xa8: {  	_ =	swait.ge @!p0 [sflag:s0], s1  }
0xa9: {  	s1 =	ssub.s32 @!p0 $0x0, s1;
	[sflag:s0] =	ssyncset.done @!p0 $0x0  }
0xaa: {  	[sflag:s0] =	ssyncadd.s32 @!p0 s1  }
0xab: {  	[bflag:$0x3] =	sbarrier.arrive $0xFFFF  }
0xac: {  	_ =	shalt  }

// kernel: kernel.19.cloned.1.call-start
scs
__scs_entry_jumppad:
0x0: {  	(pc) =	sbr.rel $0x88, $3  }
0x1: {  	(tag) =	ssettag $0x0;
	lr =	simm.s32 $0x1  }
0x2: {  	[smem:$0x3F97] =	sst lr;
	_ =	strace $0xD0000000  }
0x3: {  	_ = 	snop  }
0x4: {  	_ = 	snop  }
0x5: {  	_ = 	snop  }
0x6: {  	_ = 	snop  }
0x7: {  	_ = 	snop  }
__scs_overlays_trampoline_lowered:
0x8: {  	[smem:$0x3FA6] =	sst s0  }
0x9: {  	[smem:$0x3FA7] =	sst s1  }
0xa: {  	[smem:$0x3FA8] =	sst s2  }
0xb: {  	[smem:$0x3FA9] =	sst s3  }
0xc: {  	[smem:$0x3FAA] =	sst s4  }
0xd: {  	[smem:$0x3FAB] =	sst s5  }
0xe: {  	[smem:$0x3FAC] =	sst s6  }
0xf: {  	[smem:$0x3FAD] =	sst s7  }
0x10: {  	[smem:$0x3FAE] =	sst s8  }
0x11: {  	[smem:$0x3FAF] =	sst s9;
	s0 =	simm.s32 @!p0 $0x0  }
0x12: {  	s1 =	sld [smem:$0x3F95];
	s0 =	simm.s32 @p0 $0x1  }
0x13: {  	[smem:$0x3FB0] =	sst s0;
	s0 =	simm.s32 @!p1 $0x0  }
0x14: {  	s2 =	sld [smem:$0x3F94];
	s0 =	simm.s32 @p1 $0x1  }
0x15: {  	[smem:$0x3FB1] =	sst s0;
	s0 =	simm.s32 @!p2 $0x0  }
0x16: {  	s3 =	sld [smem:$0x3FDB];
	s0 =	simm.s32 @p2 $0x1  }
0x17: {  	s4 =	simm.s32 $0x1BF5;
	[smem:$0x3FB3] =	sst s0  }
0x18: {  	s0 =	sld [smem:$0x3F96];
	_ =	swait.ge [sflag:s4], $0x0  }
0x19: {  	s7 =	sld [smem:$0x3F97]  }
0x1a: {  	s8 =	sadd.s32 $0xFFFFE003, lr  }
0x1b: {  	s9 =	sadd.s32 $0xFFFFFEF7, lr;
	s5 =	simm.s32 $0xFFFFFFFF;
	p2 =	slt.u32 s8, $0xFFFFF086  }
0x1c: {  	p1 =	slt.u32 s9, $0xF7A;
	s5 =	simm.s32 @!p2 $0x0  }
0x1d: {  	s5 =	simm.s32 @p1 $0x1;
	p0 =	seq.s32 s7, s2  }
0x1e: {  	s7 =	smul.u32 @!p0 $0xF7A, s2;
	p2 =	seq.s32 @!p0 s5, $0x0  }
0x1f: {  	s9 =	smul.u32 $0xF7A, s1;
	s8 =	simm.s32 @!p0 $0x1BF5;
	p2 =	por !p2, p0  }
0x20: {  	[sflag:s8] =	ssyncset.s32 @!p0 $0xFFFFF086;
	s6 =	sadd.s32 @!p0 s3, s7;
	s7 =	simm.s32 @!p0 $0x108  }
0x21: {  	s3 =	sadd.s32 s3, s9;
	s6 =	sadd.s32 @!p0 $0x88, s6;
	s7 =	simm.s32 @p2 $0x1082  }
0x22: {  	[simem:s7], [sflag:s8] =	dma.local @!p0 [hbm:s6], $0xF7A  }
0x23: {  	s9 =	sor.u32 $0xD0000000, s2;
	s6 =	simm.s32 $0x108;
	_ =	swait.ge @!p0 [sflag:s8], $0x0  }
0x24: {  	s3 =	sadd.s32 $0x88, s3;
	s6 =	simm.s32 @!p1 $0x1082;
	[sflag:s4] =	ssyncset.s32 $0xFFFFF086  }
0x25: {  	[simem:s6], [sflag:s4] =	dma.local [hbm:s3], $0xF7A  }
0x26: {  	[smem:$0x3F97] =	sst s1;
	(tag) =	ssettag s2;
	_ =	strace s9  }
0x27: {  	s1 =	sld [smem:$0x3FA7]  }
0x28: {  	s2 =	sld [smem:$0x3FA8]  }
0x29: {  	s4 =	sld [smem:$0x3FAA]  }
0x2a: {  	p0 =	seq.s32 s5, $0x0;
	s5 =	sld [smem:$0x3FAB]  }
0x2b: {  	s6 =	sld [smem:$0x3FAC]  }
0x2c: {  	s7 =	sld [smem:$0x3FAD]  }
0x2d: {  	s3 =	simm.s32 $0x108;
	s8 =	sld [smem:$0x3FAE]  }
0x2e: {  	s3 =	simm.s32 @!p0 $0x1082;
	s9 =	sld [smem:$0x3FAF]  }
0x2f: {  	lr =	sadd.s32 s0, s3;
	s0 =	sld [smem:$0x3FA6]  }
0x30: {  	s3 =	sld [smem:$0x3FA9]  }
0x31: {  	[smem:$0x3FB2] =	sst s10  }
0x32: {  	s10 =	sld [smem:$0x3FB0];
	_ =	sdelay $0x3  }
0x33: {  	p0 =	seq.s32 s10, $0x1;
	s10 =	sld [smem:$0x3FB2];
	_ =	sdelay $0x3  }
0x34: {  	[smem:$0x3FB2] =	sst s10  }
0x35: {  	s10 =	sld [smem:$0x3FB1];
	_ =	sdelay $0x3  }
0x36: {  	p1 =	seq.s32 s10, $0x1;
	s10 =	sld [smem:$0x3FB2];
	_ =	sdelay $0x3  }
0x37: {  	[smem:$0x3FB2] =	sst s10  }
0x38: {  	s10 =	sld [smem:$0x3FB3]  }
0x39: {  	_ = 	snop;
	(pc) =	sbr.ind lr, $3  }
0x3a: {  	_ = 	snop  }
0x3b: {  	_ = 	snop  }
0x3c: {  	p2 =	seq.s32 s10, $0x1;
	s10 =	sld [smem:$0x3FB2]  }
0x3d: {  	_ =	shalt  }
0x3e: {  	_ =	shalt  }
0x3f: {  	_ =	shalt  }
0x40: {  	_ =	shalt  }
0x41: {  	_ =	shalt  }
0x42: {  	_ =	shalt  }
0x43: {  	_ =	shalt  }
0x44: {  	_ =	shalt  }
0x45: {  	_ =	shalt  }
0x46: {  	_ =	shalt  }
0x47: {  	_ =	shalt  }
0x48: {  	_ =	shalt  }
0x49: {  	_ =	shalt  }
0x4a: {  	_ =	shalt  }
0x4b: {  	_ =	shalt  }
0x4c: {  	_ =	shalt  }
0x4d: {  	_ =	shalt  }
0x4e: {  	_ =	shalt  }
0x4f: {  	_ =	shalt  }
0x50: {  	_ =	shalt  }
0x51: {  	_ =	shalt  }
0x52: {  	_ =	shalt  }
0x53: {  	_ =	shalt  }
0x54: {  	_ =	shalt  }
0x55: {  	_ =	shalt  }
0x56: {  	_ =	shalt  }
0x57: {  	_ =	shalt  }
0x58: {  	_ =	shalt  }
0x59: {  	_ =	shalt  }
0x5a: {  	_ =	shalt  }
0x5b: {  	_ =	shalt  }
0x5c: {  	_ =	shalt  }
0x5d: {  	_ =	shalt  }
0x5e: {  	_ =	shalt  }
0x5f: {  	_ =	shalt  }
0x60: {  	_ =	shalt  }
0x61: {  	_ =	shalt  }
0x62: {  	_ =	shalt  }
0x63: {  	_ =	shalt  }
0x64: {  	_ =	shalt  }
0x65: {  	_ =	shalt  }
0x66: {  	_ =	shalt  }
0x67: {  	_ =	shalt  }
0x68: {  	_ =	shalt  }
0x69: {  	_ =	shalt  }
0x6a: {  	_ =	shalt  }
0x6b: {  	_ =	shalt  }
0x6c: {  	_ =	shalt  }
0x6d: {  	_ =	shalt  }
0x6e: {  	_ =	shalt  }
0x6f: {  	_ =	shalt  }
0x70: {  	_ =	shalt  }
0x71: {  	_ =	shalt  }
0x72: {  	_ =	shalt  }
0x73: {  	_ =	shalt  }
0x74: {  	_ =	shalt  }
0x75: {  	_ =	shalt  }
0x76: {  	_ =	shalt  }
0x77: {  	_ =	shalt  }
0x78: {  	_ =	shalt  }
0x79: {  	_ =	shalt  }
0x7a: {  	_ =	shalt  }
0x7b: {  	_ =	shalt  }
0x7c: {  	_ =	shalt  }
0x7d: {  	_ =	shalt  }
0x7e: {  	_ =	shalt  }
0x7f: {  	_ =	shalt  }
0x80: {  	_ =	shalt  }
0x81: {  	_ =	shalt  }
0x82: {  	_ =	shalt  }
0x83: {  	_ =	shalt  }
0x84: {  	_ =	shalt  }
0x85: {  	_ =	shalt  }
0x86: {  	_ =	shalt  }
0x87: {  	_ =	shalt  }
.Lfunc_end0:
.L_simem_size_0:
called_computation.3_lowered:
.L_overlay_start_0:
0x88: {  	s2 =	sld [smem:$0x3FD9]  }
0x89: {  	s3 =	sld [smem:$0x3FFE];
	_ =	sdelay $0x1  }
0x8a: {  	s1 =	srdreg.scid  }
0x8b: {  	s0 =	sand.u32 $0x1, s1  }
0x8c: {  	s16 =	sshll.u32 s0, $0xA;
	s2 =	sadd.s32 s3, s2  }
0x8d: {  	s2 =	sadd.s32 s2, s16  }
0x8e: {  	[smem:$0x3FBE] =	sst s2  }
0x8f: {  	_ = 	snop  }
0x90: {  	(tm) =	ssettm $0x1  }
0x91: {  	s17 =	sld [smem:$0x3FFB];
	_ =	sdelay $0x3  }
0x92: {  	_ =	strace s17  }
0x93: {  	s2 =	sld [smem:$0x3FFC];
	_ =	sdelay $0x3  }
0x94: {  	_ =	strace s2  }
0x95: {  	s2 =	sld [smem:$0x3FFD];
	_ =	sdelay $0x3  }
0x96: {  	_ =	strace s2  }
0x97: {  	_ =	strace $0x8FFFFFFF  }
0x98: {  	s18 =	sld [smem:$0x3FDB];
	_ =	sdelay $0x1  }
0x99: {  	s19 =	simm.s32 $_scs_section_size  }
0x9a: {  	s4 =	simm.s32 $_size__tile_overlayer_lowered;
	s5 =	simm.s32 $_tile_overlayer_lowered  }
0x9b: {  	s22 =	simm.s32 $0x1BFF;
	s21 =	sshll.u32 s5, $0x1;
	s2 =	sadd.s32 s19, s18  }
0x9c: {  	s6 =	simm.s32 $0x0;
	s20 =	sshll.u32 s4, $0x1;
	s4 =	sadd.s32 s21, s2  }
0x9d: {  	[timem:s6], [sflag:s22] =	dma.local [hbm:s4], s20  }
0x9e: {  	_ =	swait.ge [sflag:s22], s20  }
0x9f: {  	s3 =	ssub.s32 $0x0, s20;
	[sflag:s22] =	ssyncset.done $0x0  }
0xa0: {  	[sflag:s22] =	ssyncadd.s32 s3;
	_ =	sdelay $0x1  }
0xa1: {  	s23 =	simm.s32 $0x1B8B  }
0xa2: {  	_ =	swait.ge [sflag:s23], $0x1  }
0xa3: {  	[sflag:s23] =	ssyncset.done $0x0  }
0xa4: {  	s25 =	simm.s32 $0x1B8E;
	s24 =	sld [smem:$0x3FFE];
	[sflag:s23] =	ssyncadd.s32 $0xFFFFFFFF  }
0xa5: {  	s26 =	simm.s32 $execute0_lowered;
	[smem:$0x3FD2] =	sst s25  }
0xa6: {  	s4 =	sshll.u32 s26, $0x1;
	_ =	strace $0x8000004F;
	[dreg:$0x1] =	wrdreg $0xFFFFFFFF  }
0xa7: {  	s28 =	simm.s32 $_size_execute0_lowered;
	s2 =	sadd.s32 s2, s4;
	[dreg:$0x0] =	wrdreg $0x0  }
0xa8: {  	s4 =	sshll.u32 s28, $0x1;
	[dreg:$0x2] =	wrdreg s2  }
0xa9: {  	[dreg:$0x3] =	wrdreg s4  }
0xaa: {  	[dreg:$0x4] =	wrdreg $0xC0  }
0xab: {  	_ =	task [dreg:s6], $0x5FFFF  }
0xac: {  	[dreg:$0x1] =	wrdreg $0xFFFFFFFF  }
0xad: {  	[dreg:$0x0] =	wrdreg $0x60  }
0xae: {  	[dreg:$0x2] =	wrdreg s24  }
0xaf: {  	[dreg:$0x3] =	wrdreg $0x0  }
0xb0: {  	[dreg:$0x4] =	wrdreg $0x9  }
0xb1: {  	_ =	task.clear_ibuf [dreg:s6], $0x5FFFF;
	_ =	strace $0x9000004F  }
0xb2: {  	s29 =	simm.s32 $0x9;
	_ =	strace $0x80000051  }
0xb3: {  	_ =	swait.ge [sflag:s29], $0x1  }
0xb4: {  	[sflag:s29] =	ssyncadd.s32 $0xFFFFFFFF  }
0xb5: {  	_ =	strace $0x90000051  }
0xb6: {  	_ =	sfence  }
0xb7: {  	s30 =	sld [smem:$0x0];
	_ =	sdelay $0x2  }
0xb8: {  	s31 =	sshll.u32 s1, $0xD;
	s1 =	sshrl.u32 s1, $0x2  }
0xb9: {  	s3 =	sand.u32 $0x4000, s31;
	s1 =	sadd.s32 s1, s30  }
0xba: {  	s0 =	sor.u32 s3, s0;
	s1 =	sshll.u32 s1, $0x11  }
0xbb: {  	s0 =	sor.u32 s1, s0  }
0xbc: {  	s0 =	sadd.s32 $0x8F2B, s0  }
0xbd: {  	[sflag:s0] =	ssyncadd.remote.s32 $0x1  }
0xbe: {  	_ =	sfence.sel $0xFFFF  }
0xbf: {  	[dreg:$0x0] =	wrdreg $0xFFFFFFFF;
	(pc) =	sbr.abs _section_cstart, $3  }
0xc0: {  	[dreg:$0x1] =	wrdreg $0xFFFFFFFF  }
0xc1: {  	_ =	task.clear_ibuf [dreg:s6], $0x2FFFF;
	_ =	strace $0x9FFFFFFF  }
0xc2: {  	(tm) =	ssettm $0x7FFFFFFF  }
0xc3: {  	_ =	shalt  }
tec
execute0_lowered:
.L_overlay_start_1:
0x0: {  	(tag) =	ssettag $0x1  }
0x1: {  	s0 =	srdreg.scid  }
0x2: {  	s1 =	rddreg [dreg:$0x0];
	s22 =	stileid.u32  }
0x3: {  	s2 =	rddreg [dreg:$0x1];
	s3 =	simm.s32 $0x0;
	s6 =	smul.u32 $0x2710, s22  }
0x4: {  	s28 =	simm.s32 $0x18100;
	s29 =	simm.s32 $0x1;
	s7 =	smul.u32 $0x50000, s22  }
0x5: {  	s30 =	simm.s32 $0x0;
	s5 =	sand.u32 $0x1, s0;
	s15 =	smul.u32 $0x14000, s22  }
0x6: {  	[smem:$0x7FF] =	sst s3;
	s22 =	simm.s32 $0x14000;
	s4 =	smul.u32 $0x27100, s5  }
0x7: {  	_ =	strace $0x80000050;
	s23 =	ssub.s32 $0x2, s5;
	s16 =	smul.u32 $0x140000, s5  }
0x8: {  	s8 =	sshrl.u32 s23, $0x1;
	s7 =	sshrl.u32 s7, $0x2;
	s12 =	sadd.s32 $0x4000, s15  }
0x9: {  	s17 =	sadd.s32 $0x8000, s15;
	s18 =	sadd.s32 $0xC000, s15;
	s20 =	sadd.s32 $0x10000, s15  }
0xa: {  	s4 =	sadd.s32 s6, s4;
	s5 =	sadd.s32 s7, s2;
	s10 =	sadd.s32 s16, s15  }
0xb: {  	s13 =	sadd.s32 s16, s12;
	s12 =	sadd.s32 s12, s2;
	s14 =	sadd.s32 s17, s2  }
0xc: {  	s17 =	sadd.s32 s16, s17;
	s19 =	sadd.s32 s16, s18;
	s31 =	sadd.s32 s16, s20  }
0xd: {  	s16 =	sadd.s32 s18, s2;
	s18 =	sadd.s32 s20, s2;
	s6 =	sshrl.u32 s4, $0x3  }
0xe: {  	s4 =	sadd.s32 $0x2A200, s1;
	s25 =	sadd.s32 $0x4000, s5;
	s9 =	sadd.s32 $0xC000, s5  }
0xf: {  	s11 =	sshrl.u32 s10, $0x3;
	s10 =	sadd.s32 $0x10000, s5;
	s13 =	sshrl.u32 s13, $0x3  }
0x10: {  	s17 =	sshrl.u32 s17, $0x3;
	s26 =	sshrl.u32 s19, $0x3;
	s19 =	sshrl.u32 s31, $0x3  }
0x11: {  	s21 =	sadd.s32 s6, s1;
	s6 =	ssub.s32 s23, s8;
	s1 =	sadd.s32 $0x52200, s1  }
0x12: {  	[dreg:$0x4] =	wrdreg s25;
	s8 =	sadd.s32 $0x8000, s5;
	s23 =	simm.s32 $0x2  }
0x13: {  	s25 =	simm.s32 $0x18080;
	s24 =	smax.u32 s6, $0x1;
	s11 =	sadd.s32 s1, s11  }
0x14: {  	s13 =	sadd.s32 s1, s13;
	s15 =	sadd.s32 s1, s17;
	s17 =	sadd.s32 s1, s26  }
0x15: {  	s19 =	sadd.s32 s1, s19;
	s20 =	sadd.s32 $0x16600, s21;
	s21 =	sadd.s32 $0x20400, s21  }
0x16: {  	v0 =	vimm.f32 $0.0e+00;
	s26 =	simm.s32 $0x50;
	[dreg:$0x3] =	wrdreg s24;
	s24 =	simm.s32 $0x18000  }
.LBB2_1:
0x17: {  	s31 =	simm.s32 $0x0;
	s1 =	simm.s32 $0x200  }
.LBB2_2:
0x18: {  	p0 =	sne.s32 s1, $0xFE00;
	[tilespmem:s31+$0x14070] =	vst v0  }
0x19: {  	[tilespmem:s31+$0x14000] =	vst v0  }
0x1a: {  	[tilespmem:s31+$0x14010] =	vst v0  }
.Ltmp0:
0x1b: {  	[tilespmem:s31+$0x14020] =	vst v0;
	(pc) =	sbr.rel @p0 .LBB2_2-.Ltmp0, $4  }
0x1c: {  	[tilespmem:s31+$0x14030] =	vst v0  }
0x1d: {  	[tilespmem:s31+$0x14040] =	vst v0  }
0x1e: {  	[tilespmem:s31+$0x14050] =	vst v0  }
0x1f: {  	[tilespmem:s31+$0x14060] =	vst v0;
	s31 =	sshra.s32 s1, $0x2;
	s1 =	sadd.s32 $0x200, s1  }
0x20: {  	[tilespmem:s31+$0x14070] =	vst v0  }
0x21: {  	[tilespmem:s31+$0x14000] =	vst v0  }
0x22: {  	[tilespmem:s31+$0x14010] =	vst v0  }
0x23: {  	[tilespmem:s31+$0x14020] =	vst v0  }
0x24: {  	[tilespmem:s31+$0x14030] =	vst v0  }
0x25: {  	[tilespmem:s31+$0x14040] =	vst v0  }
0x26: {  	[tilespmem:s31+$0x14050] =	vst v0  }
0x27: {  	[tilespmem:s31+$0x14060] =	vst v0  }
0x28: {  	[spmem:s5] =	stream.linear.scatter [tilespmem:s22], [sflag:$0x2], $0x4000, $0x38;
	[tilespmem:$0x1A900] =	vst v63  }
0x29: {  	_ =	swait.ge [sflag:s23], $0x4000  }
0x2a: {  	[sflag:s23] =	ssyncset.done $0x0  }
0x2b: {  	s0 =	rddreg [dreg:$0x4];
	[sflag:s23] =	ssyncadd.s32 $0xFFFFC000  }
0x2c: {  	[spmem:s0] =	stream.linear.scatter [tilespmem:s22], [sflag:$0x2], $0x4000, $0x38;
	[tilespmem:$0x1A900] =	vst v63  }
0x2d: {  	_ =	swait.ge [sflag:s23], $0x4000  }
0x2e: {  	[sflag:s23] =	ssyncset.done $0x0  }
0x2f: {  	[sflag:s23] =	ssyncadd.s32 $0xFFFFC000  }
0x30: {  	[spmem:s8] =	stream.linear.scatter [tilespmem:s22], [sflag:$0x2], $0x4000, $0x38;
	[tilespmem:$0x1A900] =	vst v63  }
0x31: {  	_ =	swait.ge [sflag:s23], $0x4000  }
0x32: {  	[sflag:s23] =	ssyncset.done $0x0  }
0x33: {  	[sflag:s23] =	ssyncadd.s32 $0xFFFFC000  }
0x34: {  	[spmem:s9] =	stream.linear.scatter [tilespmem:s22], [sflag:$0x2], $0x4000, $0x38;
	[tilespmem:$0x1A900] =	vst v63  }
0x35: {  	_ =	swait.ge [sflag:s23], $0x4000  }
0x36: {  	[sflag:s23] =	ssyncset.done $0x0  }
0x37: {  	[sflag:s23] =	ssyncadd.s32 $0xFFFFC000  }
0x38: {  	[spmem:s10] =	stream.linear.scatter [tilespmem:s22], [sflag:$0x2], $0x4000, $0x38;
	[tilespmem:$0x1A900] =	vst v63  }
0x39: {  	_ =	swait.ge [sflag:s23], $0x4000  }
0x3a: {  	[sflag:s23] =	ssyncset.done $0x0  }
0x3b: {  	[sflag:s23] =	ssyncadd.s32 $0xFFFFC000  }
0x3c: {  	s1 =	sadd.s32 $0x0, s21;
	[bflag:$0x0] =	sbarrier.arrive $0xFFFF  }
0x3d: {  	[tilespmem:s24], [sflag:$0x2] =	stream.linear.gather [hbm4b:s1+s3], $0x50, $0x38;
	[tilespmem:$0x1A900] =	vst v63  }
0x3e: {  	_ =	swait.ge [sflag:s23], $0x50  }
0x3f: {  	[sflag:s23] =	ssyncset.done $0x0  }
0x40: {  	s7 =	sadd.s32 $0x0, s20;
	[sflag:s23] =	ssyncadd.s32 $0xFFFFFFB0  }
0x41: {  	[tilespmem:s25], [sflag:$0x2] =	stream.linear.gather [hbm4b:s7+s3], $0x50, $0x38;
	[tilespmem:$0x1A900] =	vst v63  }
0x42: {  	_ =	swait.ge [sflag:s23], $0x50  }
0x43: {  	[sflag:s23] =	ssyncset.done $0x0  }
0x44: {  	[sflag:s23] =	ssyncadd.s32 $0xFFFFFFB0  }
0x45: {  	[tilespmem:s28], [sflag:$0x1] =	stream.indirect.gather [hbm4b:s4+s26], $0x80, s24, s26, $0xb8;
	[tilespmem:$0x1A900] =	vst v63  }
0x46: {  	_ =	swait.ge [sflag:s29], $0x2800  }
0x47: {  	[sflag:s29] =	ssyncset.done $0x0  }
0x48: {  	[sflag:s29] =	ssyncadd.s32 $0xFFFFD800  }
0x49: {  	[spmem:s2] =	stream.indirect.scatter.add.f32 [tilespmem:s28], [sflag:$0x2], $0x80, s25, s26, $0xb8;
	[tilespmem:$0x1A900] =	vst v63  }
0x4a: {  	_ =	swait.ge [sflag:s23], $0x2800  }
0x4b: {  	s31 =	simm.s32 $0xA;
	s1 =	simm.s32 $0x14;
	[sflag:s23] =	ssyncset.done $0x0  }
.LBB2_4:
0x4c: {  	s0 =	sadd.s32 s31, s21  }
0x4d: {  	[sflag:s23] =	ssyncadd.s32 $0xFFFFD800;
	s6 =	smov.u32 s1;
	s7 =	sadd.s32 $0xA, s1  }
0x4e: {  	[tilespmem:s24], [sflag:$0x2] =	stream.linear.gather [hbm4b:s0+s3], $0x50, $0x38;
	[tilespmem:$0x1A900] =	vst v63  }
0x4f: {  	p0 =	sne.s32 s1, $0x4D8;
	_ =	swait.ge [sflag:s23], $0x50  }
0x50: {  	[sflag:s23] =	ssyncset.done $0x0  }
0x51: {  	s0 =	sadd.s32 s31, s20;
	s31 =	smov.u32 s6;
	[sflag:s23] =	ssyncadd.s32 $0xFFFFFFB0  }
0x52: {  	[tilespmem:s25], [sflag:$0x2] =	stream.linear.gather [hbm4b:s0+s3], $0x50, $0x38;
	[tilespmem:$0x1A900] =	vst v63  }
0x53: {  	_ =	swait.ge [sflag:s23], $0x50  }
0x54: {  	[sflag:s23] =	ssyncset.done $0x0  }
0x55: {  	[sflag:s23] =	ssyncadd.s32 $0xFFFFFFB0  }
0x56: {  	[tilespmem:s28], [sflag:$0x1] =	stream.indirect.gather [hbm4b:s4+s26], $0x80, s24, s26, $0xb8;
	[tilespmem:$0x1A900] =	vst v63  }
0x57: {  	_ =	swait.ge [sflag:s29], $0x2800  }
.Ltmp1:
0x58: {  	[sflag:s29] =	ssyncset.done $0x0;
	(pc) =	sbr.rel @p0 .LBB2_4-.Ltmp1, $4  }
0x59: {  	[sflag:s29] =	ssyncadd.s32 $0xFFFFD800  }
0x5a: {  	[spmem:s2] =	stream.indirect.scatter.add.f32 [tilespmem:s28], [sflag:$0x2], $0x80, s25, s26, $0xb8;
	[tilespmem:$0x1A900] =	vst v63  }
0x5b: {  	_ =	swait.ge [sflag:s23], $0x2800  }
0x5c: {  	s1 =	smov.u32 s7;
	[sflag:s23] =	ssyncset.done $0x0  }
0x5d: {  	s0 =	sadd.s32 s31, s21;
	[sflag:s23] =	ssyncadd.s32 $0xFFFFD800  }
0x5e: {  	[tilespmem:s24], [sflag:$0x2] =	stream.linear.gather [hbm4b:s0+s3], $0x50, $0x38;
	[tilespmem:$0x1A900] =	vst v63  }
0x5f: {  	_ =	swait.ge [sflag:s23], $0x50  }
0x60: {  	[sflag:s23] =	ssyncset.done $0x0  }
0x61: {  	s7 =	sadd.s32 s31, s20;
	[sflag:s23] =	ssyncadd.s32 $0xFFFFFFB0  }
0x62: {  	[tilespmem:s25], [sflag:$0x2] =	stream.linear.gather [hbm4b:s7+s3], $0x50, $0x38;
	[tilespmem:$0x1A900] =	vst v63  }
0x63: {  	_ =	swait.ge [sflag:s23], $0x50  }
0x64: {  	[sflag:s23] =	ssyncset.done $0x0  }
0x65: {  	[sflag:s23] =	ssyncadd.s32 $0xFFFFFFB0  }
0x66: {  	[tilespmem:s28], [sflag:$0x1] =	stream.indirect.gather [hbm4b:s4+s26], $0x80, s24, s26, $0xb8;
	[tilespmem:$0x1A900] =	vst v63  }
0x67: {  	_ =	swait.ge [sflag:s29], $0x2800  }
0x68: {  	[sflag:s29] =	ssyncset.done $0x0  }
0x69: {  	[sflag:s29] =	ssyncadd.s32 $0xFFFFD800  }
0x6a: {  	[spmem:s2] =	stream.indirect.scatter.add.f32 [tilespmem:s28], [sflag:$0x2], $0x80, s25, s26, $0xb8;
	[tilespmem:$0x1A900] =	vst v63  }
0x6b: {  	_ =	swait.ge [sflag:s23], $0x2800  }
0x6c: {  	[sflag:s23] =	ssyncset.done $0x0  }
0x6d: {  	[sflag:s23] =	ssyncadd.s32 $0xFFFFD800  }
0x6e: {  	[bflag:$0x0] =	sbarrier.arrive $0xFFFF  }
0x6f: {  	[tilespmem:s22], [sflag:$0x2] =	stream.linear.gather [spmem:s5], $0x4000, $0x38;
	[tilespmem:$0x1A900] =	vst v63  }
0x70: {  	_ =	swait.ge [sflag:s23], $0x4000  }
0x71: {  	[sflag:s23] =	ssyncset.done $0x0  }
0x72: {  	[sflag:s23] =	ssyncadd.s32 $0xFFFFC000  }
0x73: {  	[hbm4b:s11+s3] =	stream.linear.scatter [tilespmem:s22], [sflag:$0x2], $0x4000, $0x38;
	[tilespmem:$0x1A900] =	vst v63  }
0x74: {  	_ =	swait.ge [sflag:s23], $0x4000  }
0x75: {  	[sflag:s23] =	ssyncset.done $0x0  }
0x76: {  	[sflag:s23] =	ssyncadd.s32 $0xFFFFC000  }
0x77: {  	[tilespmem:s22], [sflag:$0x2] =	stream.linear.gather [spmem:s12], $0x4000, $0x38;
	[tilespmem:$0x1A900] =	vst v63  }
0x78: {  	_ =	swait.ge [sflag:s23], $0x4000  }
0x79: {  	[sflag:s23] =	ssyncset.done $0x0  }
0x7a: {  	[sflag:s23] =	ssyncadd.s32 $0xFFFFC000  }
0x7b: {  	[hbm4b:s13+s3] =	stream.linear.scatter [tilespmem:s22], [sflag:$0x2], $0x4000, $0x38;
	[tilespmem:$0x1A900] =	vst v63  }
0x7c: {  	_ =	swait.ge [sflag:s23], $0x4000  }
0x7d: {  	[sflag:s23] =	ssyncset.done $0x0  }
0x7e: {  	[sflag:s23] =	ssyncadd.s32 $0xFFFFC000  }
0x7f: {  	[tilespmem:s22], [sflag:$0x2] =	stream.linear.gather [spmem:s14], $0x4000, $0x38;
	[tilespmem:$0x1A900] =	vst v63  }
0x80: {  	_ =	swait.ge [sflag:s23], $0x4000  }
0x81: {  	[sflag:s23] =	ssyncset.done $0x0  }
0x82: {  	[sflag:s23] =	ssyncadd.s32 $0xFFFFC000  }
0x83: {  	[hbm4b:s15+s3] =	stream.linear.scatter [tilespmem:s22], [sflag:$0x2], $0x4000, $0x38;
	[tilespmem:$0x1A900] =	vst v63  }
0x84: {  	_ =	swait.ge [sflag:s23], $0x4000  }
0x85: {  	[sflag:s23] =	ssyncset.done $0x0  }
0x86: {  	[sflag:s23] =	ssyncadd.s32 $0xFFFFC000  }
0x87: {  	[tilespmem:s22], [sflag:$0x2] =	stream.linear.gather [spmem:s16], $0x4000, $0x38;
	[tilespmem:$0x1A900] =	vst v63  }
0x88: {  	_ =	swait.ge [sflag:s23], $0x4000  }
0x89: {  	[sflag:s23] =	ssyncset.done $0x0  }
0x8a: {  	[sflag:s23] =	ssyncadd.s32 $0xFFFFC000  }
0x8b: {  	[hbm4b:s17+s3] =	stream.linear.scatter [tilespmem:s22], [sflag:$0x2], $0x4000, $0x38;
	[tilespmem:$0x1A900] =	vst v63  }
0x8c: {  	_ =	swait.ge [sflag:s23], $0x4000  }
0x8d: {  	[sflag:s23] =	ssyncset.done $0x0  }
0x8e: {  	[sflag:s23] =	ssyncadd.s32 $0xFFFFC000  }
0x8f: {  	[tilespmem:s22], [sflag:$0x2] =	stream.linear.gather [spmem:s18], $0x4000, $0x38;
	[tilespmem:$0x1A900] =	vst v63  }
0x90: {  	_ =	swait.ge [sflag:s23], $0x4000  }
0x91: {  	[sflag:s23] =	ssyncset.done $0x0  }
0x92: {  	[sflag:s23] =	ssyncadd.s32 $0xFFFFC000  }
0x93: {  	[hbm4b:s19+s3] =	stream.linear.scatter [tilespmem:s22], [sflag:$0x2], $0x4000, $0x38;
	[tilespmem:$0x1A900] =	vst v63  }
0x94: {  	_ =	swait.ge [sflag:s23], $0x4000  }
0x95: {  	s30 =	sadd.s32 $0x1, s30;
	s31 =	rddreg [dreg:$0x3]  }
0x96: {  	p0 =	sne.s32 s30, s31  }
.Ltmp2:
0x97: {  	_ = 	snop;
	(pc) =	sbr.rel @p0 .LBB2_1-.Ltmp2, $3  }
0x98: {  	_ =	sdelay $0x1  }
0x99: {  	[sflag:s23] =	ssyncset.done $0x0  }
0x9a: {  	[sflag:s23] =	ssyncadd.s32 $0xFFFFC000  }
0x9b: {  	_ =	sfence.sel $0x180000  }
0x9c: {  	[bflag:$0x0] =	sbarrier.arrive $0xFFFF  }
0x9d: {  	_ =	strace $0x90000050  }
0x9e: {  	s0 =	stileid.u32;
	[bflag:$0x2] =	sbarrier.arrive $0xFFFF  }
0x9f: {  	p0 =	sne.s32 s0, $0x0;
	s0 =	rddreg [dreg:$0x2]  }
0xa0: {  	s0 =	sadd.s32 @!p0 $0x100000, s0  }
0xa1: {  	[sflag:s0] =	ssyncadd.tile.s32 @!p0 $0x1;
	_ =	shalt  }
.Lfunc_end2:
_tile_overlayer_lowered:
.L_overlay_start_2:
0xa2: {  	(tag) =	ssettag $0x2  }
0xa3: {  	s0 =	rddreg [dreg:$0x0];
	s2 =	stileid.u32  }
0xa4: {  	s1 =	rddreg [dreg:$0x1];
	p0 =	sne.s32 s2, $0x0  }
0xa5: {  	s3 =	rddreg [dreg:$0x2];
	[bflag:$0x3] =	sbarrier.arrive $0xFFFF;
	s2 =	simm.s32 @!p0 $0x1C02  }
0xa6: {  	[timem:s3], [sflag:s2] =	dma.local @!p0 [hbm:s0], s1  }
0xa7: {  	s0 =	simm.s32 @!p0 $0x2  }
0xa8: {  	_ =	swait.ge @!p0 [sflag:s0], s1  }
0xa9: {  	s1 =	ssub.s32 @!p0 $0x0, s1;
	[sflag:s0] =	ssyncset.done @!p0 $0x0  }
0xaa: {  	[sflag:s0] =	ssyncadd.s32 @!p0 s1  }
0xab: {  	[bflag:$0x3] =	sbarrier.arrive $0xFFFF  }
0xac: {  	_ =	shalt  }

</sc_bundles>
